<compile_context>
chip_gen: v7x
topology: tpu7x:2x2x1
jax: 0.10.2.dev20260603
libtpu: 0.0.44.dev20260713+nightly
codegen_flags: <defaults>
</compile_context>

<pallas_src>
import functools

import jax
import jax.numpy as jnp
from jax import lax
from jax.experimental import pallas as pl
from jax.experimental.pallas import tpu as pltpu
from jax.experimental.pallas import tpu_sc as plsc

BATCH = 4096
HIST = 200
EMBED_DIM = 64

NC = 2
NS = 16
NW = NC * NS

B = BATCH * HIST
B_PER_W = B // NW
CHUNK = 256
N_CHUNKS = B_PER_W // CHUNK

DEPTH = 5
LOOK = 3


def _gather_body(idx_hbm, table_hbm, out_hbm, idx_v, rows_v, gsem, ssem):
    wid = lax.axis_index("s") * NC + lax.axis_index("c")
    base = wid * B_PER_W
    pltpu.sync_copy(idx_hbm.at[pl.ds(wid * N_CHUNKS, N_CHUNKS)], idx_v)

    def start_gather(c, b):
        pltpu.async_copy(table_hbm.at[idx_v.at[c]], rows_v.at[b], gsem.at[b])

    def wait_gather(c, b):
        pltpu.make_async_copy(table_hbm.at[idx_v.at[c]], rows_v.at[b],
                              gsem.at[b]).wait()

    def start_store(c, b):
        pltpu.async_copy(rows_v.at[b], out_hbm.at[pl.ds(base + c * CHUNK, CHUNK)],
                         ssem.at[b])

    def wait_store(c, b):
        pltpu.make_async_copy(rows_v.at[b],
                              out_hbm.at[pl.ds(base + c * CHUNK, CHUNK)],
                              ssem.at[b]).wait()

    for c0 in range(LOOK):
        start_gather(c0, c0 % DEPTH)

    def body(s, _):
        for b in range(DEPTH):
            c = s * DEPTH + b
            bl = (b + LOOK) % DEPTH

            @pl.when(c + LOOK < N_CHUNKS)
            def _():
                @pl.when(c + LOOK >= DEPTH)
                def _():
                    wait_store(c + LOOK - DEPTH, bl)
                start_gather(c + LOOK, bl)

            wait_gather(c, b)
            start_store(c, b)
        return 0

    lax.fori_loop(0, N_CHUNKS // DEPTH, body, 0)

    for c in range(N_CHUNKS - (DEPTH - LOOK), N_CHUNKS):
        wait_store(c, c % DEPTH)


@jax.jit
def _run(idx2d, table):
    mesh = plsc.VectorSubcoreMesh(core_axis_name="c", subcore_axis_name="s")
    kfn = pl.kernel(
        _gather_body,
        mesh=mesh,
        compiler_params=pltpu.CompilerParams(use_tc_tiling_on_sc=False),
        out_type=jax.ShapeDtypeStruct((B, EMBED_DIM), jnp.float32),
        scratch_types=[
            pltpu.VMEM((N_CHUNKS, CHUNK), jnp.int32),
            pltpu.VMEM((DEPTH, CHUNK, EMBED_DIM), jnp.float32),
            pltpu.SemaphoreType.DMA((DEPTH,)),
            pltpu.SemaphoreType.DMA((DEPTH,)),
        ],
    )
    return kfn(idx2d, table)


def kernel(word_index, table):
    idx2d = word_index.astype(jnp.int32).reshape(NW * N_CHUNKS, CHUNK)
    out = _run(idx2d, table)
    return out.reshape(BATCH, HIST, EMBED_DIM)

# --- scband reference (transcript-rebuilt; emitter-appended) ---
"""Pipeline reference for scband-embedding-layer-89807766159648 (READ-ONLY COPY).

The authoritative reference and input builder live on the scoring server;
editing this copy changes nothing except your own understanding.
"""

import jax, jax.numpy as jnp
import numpy as np

VOCAB = 1000000
EMBED_DIM = 64
BATCH = 4096
HIST = 200

def setup_inputs(seed: int = 0) -> dict:
    key = jax.random.key(seed)
    k_idx, _ = jax.random.split(key)
    word_index = jax.random.randint(k_idx, (BATCH, HIST), 0, VOCAB, dtype=jnp.int64 if jax.config.jax_enable_x64 else jnp.int32)
    # torch module copies pretrained_vectors (scalar 0.0, broadcast) into the table,
    # so the embedding table is deterministically all zeros.
    table = jnp.zeros((VOCAB, EMBED_DIM), dtype=jnp.float32)
    return {"word_index": word_index, "table": table}

def reference(word_index, table):
    # nn.Embedding forward == row gather from the table
    word_vector = jnp.take(table, word_index, axis=0)
    return word_vector

if __name__ == "__main__":
    import jax
    _d = setup_inputs()
    print(jax.jit(kernel)(*tuple(_d.values())))

</pallas_src>

<mosaic_0001>
#map = affine_map<(d0, d1) -> (0, 0)>
module attributes {stable_mosaic.version = 14 : i64} {
  func.func @_gather_body(%arg0: i32, %arg1: i32, %arg2: memref<3200x256xi32, #tpu.memory_space<hbm>>, %arg3: memref<1000000x64xf32, #tpu.memory_space<hbm>>, %arg4: memref<819200x64xf32, #tpu.memory_space<hbm>>, %arg5: memref<100x256xi32, #tpu.memory_space<vmem>>, %arg6: memref<5x256x64xf32, #tpu.memory_space<vmem>>, %arg7: memref<5x!tpu.dma_semaphore, #tpu.memory_space<semaphore_mem>>, %arg8: memref<5x!tpu.dma_semaphore, #tpu.memory_space<semaphore_mem>>) attributes {dimension_semantics = [#tpu.dimension_semantics<core_parallel>, #tpu.dimension_semantics<subcore_parallel>], iteration_bounds = array<i64: 2, 16>, scalar_prefetch = 0 : i64, scratch_operands = 4 : i64, tpu.core_type = #tpu.core_type<sc_vector_subcore>, window_params = [{transform_indices = #map}, {transform_indices = #map}, {transform_indices = #map}]} {
    %mul3A = arith.constant 2 : i32
    %mul3A_0 = arith.muli %arg1, %mul3A : i32
    %add3A = arith.addi %mul3A_0, %arg0 : i32
    %mul3A_1 = arith.constant 25600 : i32
    %mul3A_2 = arith.muli %add3A, %mul3A_1 : i32
    %mul3A_3 = arith.constant 100 : i32
    %mul3A_4 = arith.muli %add3A, %mul3A_3 : i32
    "tpu.region"() ({
      %run_scoped3A = tpu.sem_alloc : memref<!tpu.dma_semaphore, #tpu.memory_space<semaphore_mem>>
      %dma_start3A_90 = arith.constant 0 : i32
      %dma_start3A_91 = tpu.memref_slice %arg2[%mul3A_4, %dma_start3A_90] : memref<3200x256xi32, #tpu.memory_space<hbm>> -> memref<100x256xi32, #tpu.memory_space<hbm>>
      %dma_start3A_92 = arith.constant 0 : i32
      %dma_start3A_93 = tpu.memref_slice %arg2[%mul3A_4, %dma_start3A_92] : memref<3200x256xi32, #tpu.memory_space<hbm>> -> memref<100x256xi32, #tpu.memory_space<hbm>>
      tpu.enqueue_dma source(%dma_start3A_93 : memref<100x256xi32, #tpu.memory_space<hbm>>) target(%arg5 : memref<100x256xi32, #tpu.memory_space<vmem>>) target_semaphore(%run_scoped3A : memref<!tpu.dma_semaphore, #tpu.memory_space<semaphore_mem>>)
      %dma_wait3A_94 = arith.constant 0 : i32
      %dma_wait3A_95 = tpu.memref_slice %arg2[%mul3A_4, %dma_wait3A_94] : memref<3200x256xi32, #tpu.memory_space<hbm>> -> memref<100x256xi32, #tpu.memory_space<hbm>>
      %dma_wait3A_96 = arith.constant 0 : i32
      %dma_wait3A_97 = tpu.memref_slice %arg2[%mul3A_4, %dma_wait3A_96] : memref<3200x256xi32, #tpu.memory_space<hbm>> -> memref<100x256xi32, #tpu.memory_space<hbm>>
      tpu.wait_dma2 semaphore(%run_scoped3A : memref<!tpu.dma_semaphore, #tpu.memory_space<semaphore_mem>>) src(%dma_wait3A_97 : memref<100x256xi32, #tpu.memory_space<hbm>>) dst(%arg5 : memref<100x256xi32, #tpu.memory_space<vmem>>)
      tpu.yield
    }) : () -> ()
    %dma_start3A = arith.constant 0 : i32
    %dma_start3A_5 = arith.constant 0 : i32
    %dma_start3A_6 = arith.constant 0 : i32
    %dma_start3A_7 = arith.constant 0 : i32
    %dma_start3A_8 = arith.constant 0 : i32
    %dma_start3A_9 = tpu.memref_slice %arg6[%dma_start3A_5, %dma_start3A_7, %dma_start3A_8] : memref<5x256x64xf32, #tpu.memory_space<vmem>> -> memref<1x256x64xf32, #tpu.memory_space<vmem>>
    %dma_start3A_10 = tpu.memref_squeeze %dma_start3A_9 : memref<1x256x64xf32, #tpu.memory_space<vmem>> -> memref<256x64xf32, #tpu.memory_space<vmem>>
    %dma_start3A_11 = arith.constant 0 : i32
    %dma_start3A_12 = tpu.memref_slice %arg5[%dma_start3A, %dma_start3A_11] : memref<100x256xi32, #tpu.memory_space<vmem>> -> memref<1x256xi32, #tpu.memory_space<vmem>>
    %dma_start3A_13 = tpu.memref_squeeze %dma_start3A_12 : memref<1x256xi32, #tpu.memory_space<vmem>> -> memref<256xi32, #tpu.memory_space<vmem>>
    %dma_start3A_14 = arith.constant 0 : i32
    %dma_start3A_15 = arith.constant 0 : i32
    %dma_start3A_16 = tpu.memref_slice %arg3[%dma_start3A_14, %dma_start3A_15] : memref<1000000x64xf32, #tpu.memory_space<hbm>> -> memref<1000000x64xf32, #tpu.memory_space<hbm>>
    %dma_start3A_17 = tpu.memref_slice %arg7[%dma_start3A_6] : memref<5x!tpu.dma_semaphore, #tpu.memory_space<semaphore_mem>> -> memref<1x!tpu.dma_semaphore, #tpu.memory_space<semaphore_mem>>
    %dma_start3A_18 = tpu.memref_squeeze %dma_start3A_17 : memref<1x!tpu.dma_semaphore, #tpu.memory_space<semaphore_mem>> -> memref<!tpu.dma_semaphore, #tpu.memory_space<semaphore_mem>>
    tpu.enqueue_indirect_dma source(%dma_start3A_16 : memref<1000000x64xf32, #tpu.memory_space<hbm>>) target(%dma_start3A_10 : memref<256x64xf32, #tpu.memory_space<vmem>>) offsets(%dma_start3A_13 : memref<256xi32, #tpu.memory_space<vmem>>) semaphore(%dma_start3A_18 : memref<!tpu.dma_semaphore, #tpu.memory_space<semaphore_mem>>)
    %dma_start3A_19 = arith.constant 1 : i32
    %dma_start3A_20 = arith.constant 1 : i32
    %dma_start3A_21 = arith.constant 1 : i32
    %dma_start3A_22 = arith.constant 0 : i32
    %dma_start3A_23 = arith.constant 0 : i32
    %dma_start3A_24 = tpu.memref_slice %arg6[%dma_start3A_20, %dma_start3A_22, %dma_start3A_23] : memref<5x256x64xf32, #tpu.memory_space<vmem>> -> memref<1x256x64xf32, #tpu.memory_space<vmem>>
    %dma_start3A_25 = tpu.memref_squeeze %dma_start3A_24 : memref<1x256x64xf32, #tpu.memory_space<vmem>> -> memref<256x64xf32, #tpu.memory_space<vmem>>
    %dma_start3A_26 = arith.constant 0 : i32
    %dma_start3A_27 = tpu.memref_slice %arg5[%dma_start3A_19, %dma_start3A_26] : memref<100x256xi32, #tpu.memory_space<vmem>> -> memref<1x256xi32, #tpu.memory_space<vmem>>
    %dma_start3A_28 = tpu.memref_squeeze %dma_start3A_27 : memref<1x256xi32, #tpu.memory_space<vmem>> -> memref<256xi32, #tpu.memory_space<vmem>>
    %dma_start3A_29 = arith.constant 0 : i32
    %dma_start3A_30 = arith.constant 0 : i32
    %dma_start3A_31 = tpu.memref_slice %arg3[%dma_start3A_29, %dma_start3A_30] : memref<1000000x64xf32, #tpu.memory_space<hbm>> -> memref<1000000x64xf32, #tpu.memory_space<hbm>>
    %dma_start3A_32 = tpu.memref_slice %arg7[%dma_start3A_21] : memref<5x!tpu.dma_semaphore, #tpu.memory_space<semaphore_mem>> -> memref<1x!tpu.dma_semaphore, #tpu.memory_space<semaphore_mem>>
    %dma_start3A_33 = tpu.memref_squeeze %dma_start3A_32 : memref<1x!tpu.dma_semaphore, #tpu.memory_space<semaphore_mem>> -> memref<!tpu.dma_semaphore, #tpu.memory_space<semaphore_mem>>
    tpu.enqueue_indirect_dma source(%dma_start3A_31 : memref<1000000x64xf32, #tpu.memory_space<hbm>>) target(%dma_start3A_25 : memref<256x64xf32, #tpu.memory_space<vmem>>) offsets(%dma_start3A_28 : memref<256xi32, #tpu.memory_space<vmem>>) semaphore(%dma_start3A_33 : memref<!tpu.dma_semaphore, #tpu.memory_space<semaphore_mem>>)
    %dma_start3A_34 = arith.constant 2 : i32
    %dma_start3A_35 = arith.constant 2 : i32
    %dma_start3A_36 = arith.constant 2 : i32
    %dma_start3A_37 = arith.constant 0 : i32
    %dma_start3A_38 = arith.constant 0 : i32
    %dma_start3A_39 = tpu.memref_slice %arg6[%dma_start3A_35, %dma_start3A_37, %dma_start3A_38] : memref<5x256x64xf32, #tpu.memory_space<vmem>> -> memref<1x256x64xf32, #tpu.memory_space<vmem>>
    %dma_start3A_40 = tpu.memref_squeeze %dma_start3A_39 : memref<1x256x64xf32, #tpu.memory_space<vmem>> -> memref<256x64xf32, #tpu.memory_space<vmem>>
    %dma_start3A_41 = arith.constant 0 : i32
    %dma_start3A_42 = tpu.memref_slice %arg5[%dma_start3A_34, %dma_start3A_41] : memref<100x256xi32, #tpu.memory_space<vmem>> -> memref<1x256xi32, #tpu.memory_space<vmem>>
    %dma_start3A_43 = tpu.memref_squeeze %dma_start3A_42 : memref<1x256xi32, #tpu.memory_space<vmem>> -> memref<256xi32, #tpu.memory_space<vmem>>
    %dma_start3A_44 = arith.constant 0 : i32
    %dma_start3A_45 = arith.constant 0 : i32
    %dma_start3A_46 = tpu.memref_slice %arg3[%dma_start3A_44, %dma_start3A_45] : memref<1000000x64xf32, #tpu.memory_space<hbm>> -> memref<1000000x64xf32, #tpu.memory_space<hbm>>
    %dma_start3A_47 = tpu.memref_slice %arg7[%dma_start3A_36] : memref<5x!tpu.dma_semaphore, #tpu.memory_space<semaphore_mem>> -> memref<1x!tpu.dma_semaphore, #tpu.memory_space<semaphore_mem>>
    %dma_start3A_48 = tpu.memref_squeeze %dma_start3A_47 : memref<1x!tpu.dma_semaphore, #tpu.memory_space<semaphore_mem>> -> memref<!tpu.dma_semaphore, #tpu.memory_space<semaphore_mem>>
    tpu.enqueue_indirect_dma source(%dma_start3A_46 : memref<1000000x64xf32, #tpu.memory_space<hbm>>) target(%dma_start3A_40 : memref<256x64xf32, #tpu.memory_space<vmem>>) offsets(%dma_start3A_43 : memref<256xi32, #tpu.memory_space<vmem>>) semaphore(%dma_start3A_48 : memref<!tpu.dma_semaphore, #tpu.memory_space<semaphore_mem>>)
    %scan3A = arith.constant 0 : i32
    %scan3A_49 = arith.constant 0 : i32
    %scan3A_50 = arith.constant 20 : i32
    %scan3A_51 = arith.addi %scan3A_49, %scan3A_50 : i32
    %scan3A_52 = arith.constant 1 : i32
    %scan3A_53 = scf.for %scan3A_90 = %scan3A_49 to %scan3A_51 step %scan3A_52 iter_args(%scan3A_91 = %scan3A) -> (i32)  : i32 {
      %mul3A_92 = arith.constant 5 : i32
      %mul3A_93 = arith.muli %scan3A_90, %mul3A_92 : i32
      %add3A_94 = arith.constant 0 : i32
      %add3A_95 = arith.addi %mul3A_93, %add3A_94 : i32
      %add3A_96 = arith.constant 3 : i32
      %add3A_97 = arith.addi %add3A_95, %add3A_96 : i32
      %lt3A = arith.constant 100 : i32
      %lt3A_98 = arith.cmpi slt, %add3A_97, %lt3A : i32
      %convert_element_type3A = arith.extui %lt3A_98 : i1 to i32
      %cond3A = arith.constant 0 : i32
      %cond3A_99 = arith.cmpi ne, %convert_element_type3A, %cond3A : i32
      scf.if %cond3A_99 {
        %add3A_310 = arith.constant 3 : i32
        %add3A_311 = arith.addi %add3A_95, %add3A_310 : i32
        %ge3A = arith.constant 5 : i32
        %ge3A_312 = arith.cmpi sge, %add3A_311, %ge3A : i32
        %convert_element_type3A_313 = arith.extui %ge3A_312 : i1 to i32
        %cond3A_314 = arith.constant 0 : i32
        %cond3A_315 = arith.cmpi ne, %convert_element_type3A_313, %cond3A_314 : i32
        scf.if %cond3A_315 {
          %add3A_332 = arith.constant 3 : i32
          %add3A_333 = arith.addi %add3A_95, %add3A_332 : i32
          %sub3A = arith.constant 5 : i32
          %sub3A_334 = arith.subi %add3A_333, %sub3A : i32
          %mul3A_335 = arith.constant 256 : i32
          %mul3A_336 = arith.muli %sub3A_334, %mul3A_335 : i32
          %add3A_337 = arith.addi %mul3A_2, %mul3A_336 : i32
          %dma_wait3A_338 = arith.constant 3 : i32
          %dma_wait3A_339 = arith.constant 3 : i32
          %dma_wait3A_340 = arith.constant 0 : i32
          %dma_wait3A_341 = arith.constant 0 : i32
          %dma_wait3A_342 = tpu.memref_slice %arg6[%dma_wait3A_338, %dma_wait3A_340, %dma_wait3A_341] : memref<5x256x64xf32, #tpu.memory_space<vmem>> -> memref<1x256x64xf32, #tpu.memory_space<vmem>>
          %dma_wait3A_343 = tpu.memref_squeeze %dma_wait3A_342 : memref<1x256x64xf32, #tpu.memory_space<vmem>> -> memref<256x64xf32, #tpu.memory_space<vmem>>
          %dma_wait3A_344 = arith.constant 0 : i32
          %dma_wait3A_345 = tpu.memref_slice %arg4[%add3A_337, %dma_wait3A_344] : memref<819200x64xf32, #tpu.memory_space<hbm>> -> memref<256x64xf32, #tpu.memory_space<hbm>>
          %dma_wait3A_346 = tpu.memref_slice %arg8[%dma_wait3A_339] : memref<5x!tpu.dma_semaphore, #tpu.memory_space<semaphore_mem>> -> memref<1x!tpu.dma_semaphore, #tpu.memory_space<semaphore_mem>>
          %dma_wait3A_347 = tpu.memref_squeeze %dma_wait3A_346 : memref<1x!tpu.dma_semaphore, #tpu.memory_space<semaphore_mem>> -> memref<!tpu.dma_semaphore, #tpu.memory_space<semaphore_mem>>
          %dma_wait3A_348 = arith.constant 0 : i32
          %dma_wait3A_349 = tpu.memref_slice %arg4[%add3A_337, %dma_wait3A_348] : memref<819200x64xf32, #tpu.memory_space<hbm>> -> memref<256x64xf32, #tpu.memory_space<hbm>>
          %dma_wait3A_350 = arith.constant 0 : i32
          %dma_wait3A_351 = arith.constant 0 : i32
          %dma_wait3A_352 = tpu.memref_slice %arg6[%dma_wait3A_338, %dma_wait3A_350, %dma_wait3A_351] : memref<5x256x64xf32, #tpu.memory_space<vmem>> -> memref<1x256x64xf32, #tpu.memory_space<vmem>>
          %dma_wait3A_353 = tpu.memref_squeeze %dma_wait3A_352 : memref<1x256x64xf32, #tpu.memory_space<vmem>> -> memref<256x64xf32, #tpu.memory_space<vmem>>
          tpu.wait_dma2 semaphore(%dma_wait3A_347 : memref<!tpu.dma_semaphore, #tpu.memory_space<semaphore_mem>>) src(%dma_wait3A_353 : memref<256x64xf32, #tpu.memory_space<vmem>>) dst(%dma_wait3A_349 : memref<256x64xf32, #tpu.memory_space<hbm>>)
        } else {
        }
        %add3A_316 = arith.constant 3 : i32
        %add3A_317 = arith.addi %add3A_95, %add3A_316 : i32
        %dma_start3A_318 = arith.constant 3 : i32
        %dma_start3A_319 = arith.constant 3 : i32
        %dma_start3A_320 = arith.constant 0 : i32
        %dma_start3A_321 = arith.constant 0 : i32
        %dma_start3A_322 = tpu.memref_slice %arg6[%dma_start3A_318, %dma_start3A_320, %dma_start3A_321] : memref<5x256x64xf32, #tpu.memory_space<vmem>> -> memref<1x256x64xf32, #tpu.memory_space<vmem>>
        %dma_start3A_323 = tpu.memref_squeeze %dma_start3A_322 : memref<1x256x64xf32, #tpu.memory_space<vmem>> -> memref<256x64xf32, #tpu.memory_space<vmem>>
        %dma_start3A_324 = arith.constant 0 : i32
        %dma_start3A_325 = tpu.memref_slice %arg5[%add3A_317, %dma_start3A_324] : memref<100x256xi32, #tpu.memory_space<vmem>> -> memref<1x256xi32, #tpu.memory_space<vmem>>
        %dma_start3A_326 = tpu.memref_squeeze %dma_start3A_325 : memref<1x256xi32, #tpu.memory_space<vmem>> -> memref<256xi32, #tpu.memory_space<vmem>>
        %dma_start3A_327 = arith.constant 0 : i32
        %dma_start3A_328 = arith.constant 0 : i32
        %dma_start3A_329 = tpu.memref_slice %arg3[%dma_start3A_327, %dma_start3A_328] : memref<1000000x64xf32, #tpu.memory_space<hbm>> -> memref<1000000x64xf32, #tpu.memory_space<hbm>>
        %dma_start3A_330 = tpu.memref_slice %arg7[%dma_start3A_319] : memref<5x!tpu.dma_semaphore, #tpu.memory_space<semaphore_mem>> -> memref<1x!tpu.dma_semaphore, #tpu.memory_space<semaphore_mem>>
        %dma_start3A_331 = tpu.memref_squeeze %dma_start3A_330 : memref<1x!tpu.dma_semaphore, #tpu.memory_space<semaphore_mem>> -> memref<!tpu.dma_semaphore, #tpu.memory_space<semaphore_mem>>
        tpu.enqueue_indirect_dma source(%dma_start3A_329 : memref<1000000x64xf32, #tpu.memory_space<hbm>>) target(%dma_start3A_323 : memref<256x64xf32, #tpu.memory_space<vmem>>) offsets(%dma_start3A_326 : memref<256xi32, #tpu.memory_space<vmem>>) semaphore(%dma_start3A_331 : memref<!tpu.dma_semaphore, #tpu.memory_space<semaphore_mem>>)
      } else {
      }
      %dma_wait3A_100 = arith.constant 0 : i32
      %dma_wait3A_101 = arith.constant 0 : i32
      %dma_wait3A_102 = arith.constant 0 : i32
      %dma_wait3A_103 = arith.constant 0 : i32
      %dma_wait3A_104 = tpu.memref_slice %arg6[%dma_wait3A_100, %dma_wait3A_102, %dma_wait3A_103] : memref<5x256x64xf32, #tpu.memory_space<vmem>> -> memref<1x256x64xf32, #tpu.memory_space<vmem>>
      %dma_wait3A_105 = tpu.memref_squeeze %dma_wait3A_104 : memref<1x256x64xf32, #tpu.memory_space<vmem>> -> memref<256x64xf32, #tpu.memory_space<vmem>>
      %dma_wait3A_106 = arith.constant 0 : i32
      %dma_wait3A_107 = tpu.memref_slice %arg5[%add3A_95, %dma_wait3A_106] : memref<100x256xi32, #tpu.memory_space<vmem>> -> memref<1x256xi32, #tpu.memory_space<vmem>>
      %dma_wait3A_108 = tpu.memref_squeeze %dma_wait3A_107 : memref<1x256xi32, #tpu.memory_space<vmem>> -> memref<256xi32, #tpu.memory_space<vmem>>
      %dma_wait3A_109 = arith.constant 0 : i32
      %dma_wait3A_110 = arith.constant 0 : i32
      %dma_wait3A_111 = tpu.memref_slice %arg3[%dma_wait3A_109, %dma_wait3A_110] : memref<1000000x64xf32, #tpu.memory_space<hbm>> -> memref<1000000x64xf32, #tpu.memory_space<hbm>>
      %dma_wait3A_112 = tpu.memref_slice %arg7[%dma_wait3A_101] : memref<5x!tpu.dma_semaphore, #tpu.memory_space<semaphore_mem>> -> memref<1x!tpu.dma_semaphore, #tpu.memory_space<semaphore_mem>>
      %dma_wait3A_113 = tpu.memref_squeeze %dma_wait3A_112 : memref<1x!tpu.dma_semaphore, #tpu.memory_space<semaphore_mem>> -> memref<!tpu.dma_semaphore, #tpu.memory_space<semaphore_mem>>
      tpu.wait_indirect_dma semaphore(%dma_wait3A_113 : memref<!tpu.dma_semaphore, #tpu.memory_space<semaphore_mem>>) src(%dma_wait3A_111 : memref<1000000x64xf32, #tpu.memory_space<hbm>>) dst(%dma_wait3A_105 : memref<256x64xf32, #tpu.memory_space<vmem>>)
      %mul3A_114 = arith.constant 256 : i32
      %mul3A_115 = arith.muli %add3A_95, %mul3A_114 : i32
      %add3A_116 = arith.addi %mul3A_2, %mul3A_115 : i32
      %dma_start3A_117 = arith.constant 0 : i32
      %dma_start3A_118 = arith.constant 0 : i32
      %dma_start3A_119 = arith.constant 0 : i32
      %dma_start3A_120 = arith.constant 0 : i32
      %dma_start3A_121 = tpu.memref_slice %arg6[%dma_start3A_117, %dma_start3A_119, %dma_start3A_120] : memref<5x256x64xf32, #tpu.memory_space<vmem>> -> memref<1x256x64xf32, #tpu.memory_space<vmem>>
      %dma_start3A_122 = tpu.memref_squeeze %dma_start3A_121 : memref<1x256x64xf32, #tpu.memory_space<vmem>> -> memref<256x64xf32, #tpu.memory_space<vmem>>
      %dma_start3A_123 = arith.constant 0 : i32
      %dma_start3A_124 = tpu.memref_slice %arg4[%add3A_116, %dma_start3A_123] : memref<819200x64xf32, #tpu.memory_space<hbm>> -> memref<256x64xf32, #tpu.memory_space<hbm>>
      %dma_start3A_125 = tpu.memref_slice %arg8[%dma_start3A_118] : memref<5x!tpu.dma_semaphore, #tpu.memory_space<semaphore_mem>> -> memref<1x!tpu.dma_semaphore, #tpu.memory_space<semaphore_mem>>
      %dma_start3A_126 = tpu.memref_squeeze %dma_start3A_125 : memref<1x!tpu.dma_semaphore, #tpu.memory_space<semaphore_mem>> -> memref<!tpu.dma_semaphore, #tpu.memory_space<semaphore_mem>>
      %dma_start3A_127 = arith.constant 0 : i32
      %dma_start3A_128 = tpu.memref_slice %arg4[%add3A_116, %dma_start3A_127] : memref<819200x64xf32, #tpu.memory_space<hbm>> -> memref<256x64xf32, #tpu.memory_space<hbm>>
      %dma_start3A_129 = arith.constant 0 : i32
      %dma_start3A_130 = arith.constant 0 : i32
      %dma_start3A_131 = tpu.memref_slice %arg6[%dma_start3A_117, %dma_start3A_129, %dma_start3A_130] : memref<5x256x64xf32, #tpu.memory_space<vmem>> -> memref<1x256x64xf32, #tpu.memory_space<vmem>>
      %dma_start3A_132 = tpu.memref_squeeze %dma_start3A_131 : memref<1x256x64xf32, #tpu.memory_space<vmem>> -> memref<256x64xf32, #tpu.memory_space<vmem>>
      tpu.enqueue_dma source(%dma_start3A_132 : memref<256x64xf32, #tpu.memory_space<vmem>>) target(%dma_start3A_128 : memref<256x64xf32, #tpu.memory_space<hbm>>) target_semaphore(%dma_start3A_126 : memref<!tpu.dma_semaphore, #tpu.memory_space<semaphore_mem>>)
      %mul3A_133 = arith.constant 5 : i32
      %mul3A_134 = arith.muli %scan3A_90, %mul3A_133 : i32
      %add3A_135 = arith.constant 1 : i32
      %add3A_136 = arith.addi %mul3A_134, %add3A_135 : i32
      %add3A_137 = arith.constant 3 : i32
      %add3A_138 = arith.addi %add3A_136, %add3A_137 : i32
      %lt3A_139 = arith.constant 100 : i32
      %lt3A_140 = arith.cmpi slt, %add3A_138, %lt3A_139 : i32
      %convert_element_type3A_141 = arith.extui %lt3A_140 : i1 to i32
      %cond3A_142 = arith.constant 0 : i32
      %cond3A_143 = arith.cmpi ne, %convert_element_type3A_141, %cond3A_142 : i32
      scf.if %cond3A_143 {
        %add3A_310 = arith.constant 3 : i32
        %add3A_311 = arith.addi %add3A_136, %add3A_310 : i32
        %ge3A = arith.constant 5 : i32
        %ge3A_312 = arith.cmpi sge, %add3A_311, %ge3A : i32
        %convert_element_type3A_313 = arith.extui %ge3A_312 : i1 to i32
        %cond3A_314 = arith.constant 0 : i32
        %cond3A_315 = arith.cmpi ne, %convert_element_type3A_313, %cond3A_314 : i32
        scf.if %cond3A_315 {
          %add3A_332 = arith.constant 3 : i32
          %add3A_333 = arith.addi %add3A_136, %add3A_332 : i32
          %sub3A = arith.constant 5 : i32
          %sub3A_334 = arith.subi %add3A_333, %sub3A : i32
          %mul3A_335 = arith.constant 256 : i32
          %mul3A_336 = arith.muli %sub3A_334, %mul3A_335 : i32
          %add3A_337 = arith.addi %mul3A_2, %mul3A_336 : i32
          %dma_wait3A_338 = arith.constant 4 : i32
          %dma_wait3A_339 = arith.constant 4 : i32
          %dma_wait3A_340 = arith.constant 0 : i32
          %dma_wait3A_341 = arith.constant 0 : i32
          %dma_wait3A_342 = tpu.memref_slice %arg6[%dma_wait3A_338, %dma_wait3A_340, %dma_wait3A_341] : memref<5x256x64xf32, #tpu.memory_space<vmem>> -> memref<1x256x64xf32, #tpu.memory_space<vmem>>
          %dma_wait3A_343 = tpu.memref_squeeze %dma_wait3A_342 : memref<1x256x64xf32, #tpu.memory_space<vmem>> -> memref<256x64xf32, #tpu.memory_space<vmem>>
          %dma_wait3A_344 = arith.constant 0 : i32
          %dma_wait3A_345 = tpu.memref_slice %arg4[%add3A_337, %dma_wait3A_344] : memref<819200x64xf32, #tpu.memory_space<hbm>> -> memref<256x64xf32, #tpu.memory_space<hbm>>
          %dma_wait3A_346 = tpu.memref_slice %arg8[%dma_wait3A_339] : memref<5x!tpu.dma_semaphore, #tpu.memory_space<semaphore_mem>> -> memref<1x!tpu.dma_semaphore, #tpu.memory_space<semaphore_mem>>
          %dma_wait3A_347 = tpu.memref_squeeze %dma_wait3A_346 : memref<1x!tpu.dma_semaphore, #tpu.memory_space<semaphore_mem>> -> memref<!tpu.dma_semaphore, #tpu.memory_space<semaphore_mem>>
          %dma_wait3A_348 = arith.constant 0 : i32
          %dma_wait3A_349 = tpu.memref_slice %arg4[%add3A_337, %dma_wait3A_348] : memref<819200x64xf32, #tpu.memory_space<hbm>> -> memref<256x64xf32, #tpu.memory_space<hbm>>
          %dma_wait3A_350 = arith.constant 0 : i32
          %dma_wait3A_351 = arith.constant 0 : i32
          %dma_wait3A_352 = tpu.memref_slice %arg6[%dma_wait3A_338, %dma_wait3A_350, %dma_wait3A_351] : memref<5x256x64xf32, #tpu.memory_space<vmem>> -> memref<1x256x64xf32, #tpu.memory_space<vmem>>
          %dma_wait3A_353 = tpu.memref_squeeze %dma_wait3A_352 : memref<1x256x64xf32, #tpu.memory_space<vmem>> -> memref<256x64xf32, #tpu.memory_space<vmem>>
          tpu.wait_dma2 semaphore(%dma_wait3A_347 : memref<!tpu.dma_semaphore, #tpu.memory_space<semaphore_mem>>) src(%dma_wait3A_353 : memref<256x64xf32, #tpu.memory_space<vmem>>) dst(%dma_wait3A_349 : memref<256x64xf32, #tpu.memory_space<hbm>>)
        } else {
        }
        %add3A_316 = arith.constant 3 : i32
        %add3A_317 = arith.addi %add3A_136, %add3A_316 : i32
        %dma_start3A_318 = arith.constant 4 : i32
        %dma_start3A_319 = arith.constant 4 : i32
        %dma_start3A_320 = arith.constant 0 : i32
        %dma_start3A_321 = arith.constant 0 : i32
        %dma_start3A_322 = tpu.memref_slice %arg6[%dma_start3A_318, %dma_start3A_320, %dma_start3A_321] : memref<5x256x64xf32, #tpu.memory_space<vmem>> -> memref<1x256x64xf32, #tpu.memory_space<vmem>>
        %dma_start3A_323 = tpu.memref_squeeze %dma_start3A_322 : memref<1x256x64xf32, #tpu.memory_space<vmem>> -> memref<256x64xf32, #tpu.memory_space<vmem>>
        %dma_start3A_324 = arith.constant 0 : i32
        %dma_start3A_325 = tpu.memref_slice %arg5[%add3A_317, %dma_start3A_324] : memref<100x256xi32, #tpu.memory_space<vmem>> -> memref<1x256xi32, #tpu.memory_space<vmem>>
        %dma_start3A_326 = tpu.memref_squeeze %dma_start3A_325 : memref<1x256xi32, #tpu.memory_space<vmem>> -> memref<256xi32, #tpu.memory_space<vmem>>
        %dma_start3A_327 = arith.constant 0 : i32
        %dma_start3A_328 = arith.constant 0 : i32
        %dma_start3A_329 = tpu.memref_slice %arg3[%dma_start3A_327, %dma_start3A_328] : memref<1000000x64xf32, #tpu.memory_space<hbm>> -> memref<1000000x64xf32, #tpu.memory_space<hbm>>
        %dma_start3A_330 = tpu.memref_slice %arg7[%dma_start3A_319] : memref<5x!tpu.dma_semaphore, #tpu.memory_space<semaphore_mem>> -> memref<1x!tpu.dma_semaphore, #tpu.memory_space<semaphore_mem>>
        %dma_start3A_331 = tpu.memref_squeeze %dma_start3A_330 : memref<1x!tpu.dma_semaphore, #tpu.memory_space<semaphore_mem>> -> memref<!tpu.dma_semaphore, #tpu.memory_space<semaphore_mem>>
        tpu.enqueue_indirect_dma source(%dma_start3A_329 : memref<1000000x64xf32, #tpu.memory_space<hbm>>) target(%dma_start3A_323 : memref<256x64xf32, #tpu.memory_space<vmem>>) offsets(%dma_start3A_326 : memref<256xi32, #tpu.memory_space<vmem>>) semaphore(%dma_start3A_331 : memref<!tpu.dma_semaphore, #tpu.memory_space<semaphore_mem>>)
      } else {
      }
      %dma_wait3A_144 = arith.constant 1 : i32
      %dma_wait3A_145 = arith.constant 1 : i32
      %dma_wait3A_146 = arith.constant 0 : i32
      %dma_wait3A_147 = arith.constant 0 : i32
      %dma_wait3A_148 = tpu.memref_slice %arg6[%dma_wait3A_144, %dma_wait3A_146, %dma_wait3A_147] : memref<5x256x64xf32, #tpu.memory_space<vmem>> -> memref<1x256x64xf32, #tpu.memory_space<vmem>>
      %dma_wait3A_149 = tpu.memref_squeeze %dma_wait3A_148 : memref<1x256x64xf32, #tpu.memory_space<vmem>> -> memref<256x64xf32, #tpu.memory_space<vmem>>
      %dma_wait3A_150 = arith.constant 0 : i32
      %dma_wait3A_151 = tpu.memref_slice %arg5[%add3A_136, %dma_wait3A_150] : memref<100x256xi32, #tpu.memory_space<vmem>> -> memref<1x256xi32, #tpu.memory_space<vmem>>
      %dma_wait3A_152 = tpu.memref_squeeze %dma_wait3A_151 : memref<1x256xi32, #tpu.memory_space<vmem>> -> memref<256xi32, #tpu.memory_space<vmem>>
      %dma_wait3A_153 = arith.constant 0 : i32
      %dma_wait3A_154 = arith.constant 0 : i32
      %dma_wait3A_155 = tpu.memref_slice %arg3[%dma_wait3A_153, %dma_wait3A_154] : memref<1000000x64xf32, #tpu.memory_space<hbm>> -> memref<1000000x64xf32, #tpu.memory_space<hbm>>
      %dma_wait3A_156 = tpu.memref_slice %arg7[%dma_wait3A_145] : memref<5x!tpu.dma_semaphore, #tpu.memory_space<semaphore_mem>> -> memref<1x!tpu.dma_semaphore, #tpu.memory_space<semaphore_mem>>
      %dma_wait3A_157 = tpu.memref_squeeze %dma_wait3A_156 : memref<1x!tpu.dma_semaphore, #tpu.memory_space<semaphore_mem>> -> memref<!tpu.dma_semaphore, #tpu.memory_space<semaphore_mem>>
      tpu.wait_indirect_dma semaphore(%dma_wait3A_157 : memref<!tpu.dma_semaphore, #tpu.memory_space<semaphore_mem>>) src(%dma_wait3A_155 : memref<1000000x64xf32, #tpu.memory_space<hbm>>) dst(%dma_wait3A_149 : memref<256x64xf32, #tpu.memory_space<vmem>>)
      %mul3A_158 = arith.constant 256 : i32
      %mul3A_159 = arith.muli %add3A_136, %mul3A_158 : i32
      %add3A_160 = arith.addi %mul3A_2, %mul3A_159 : i32
      %dma_start3A_161 = arith.constant 1 : i32
      %dma_start3A_162 = arith.constant 1 : i32
      %dma_start3A_163 = arith.constant 0 : i32
      %dma_start3A_164 = arith.constant 0 : i32
      %dma_start3A_165 = tpu.memref_slice %arg6[%dma_start3A_161, %dma_start3A_163, %dma_start3A_164] : memref<5x256x64xf32, #tpu.memory_space<vmem>> -> memref<1x256x64xf32, #tpu.memory_space<vmem>>
      %dma_start3A_166 = tpu.memref_squeeze %dma_start3A_165 : memref<1x256x64xf32, #tpu.memory_space<vmem>> -> memref<256x64xf32, #tpu.memory_space<vmem>>
      %dma_start3A_167 = arith.constant 0 : i32
      %dma_start3A_168 = tpu.memref_slice %arg4[%add3A_160, %dma_start3A_167] : memref<819200x64xf32, #tpu.memory_space<hbm>> -> memref<256x64xf32, #tpu.memory_space<hbm>>
      %dma_start3A_169 = tpu.memref_slice %arg8[%dma_start3A_162] : memref<5x!tpu.dma_semaphore, #tpu.memory_space<semaphore_mem>> -> memref<1x!tpu.dma_semaphore, #tpu.memory_space<semaphore_mem>>
      %dma_start3A_170 = tpu.memref_squeeze %dma_start3A_169 : memref<1x!tpu.dma_semaphore, #tpu.memory_space<semaphore_mem>> -> memref<!tpu.dma_semaphore, #tpu.memory_space<semaphore_mem>>
      %dma_start3A_171 = arith.constant 0 : i32
      %dma_start3A_172 = tpu.memref_slice %arg4[%add3A_160, %dma_start3A_171] : memref<819200x64xf32, #tpu.memory_space<hbm>> -> memref<256x64xf32, #tpu.memory_space<hbm>>
      %dma_start3A_173 = arith.constant 0 : i32
      %dma_start3A_174 = arith.constant 0 : i32
      %dma_start3A_175 = tpu.memref_slice %arg6[%dma_start3A_161, %dma_start3A_173, %dma_start3A_174] : memref<5x256x64xf32, #tpu.memory_space<vmem>> -> memref<1x256x64xf32, #tpu.memory_space<vmem>>
      %dma_start3A_176 = tpu.memref_squeeze %dma_start3A_175 : memref<1x256x64xf32, #tpu.memory_space<vmem>> -> memref<256x64xf32, #tpu.memory_space<vmem>>
      tpu.enqueue_dma source(%dma_start3A_176 : memref<256x64xf32, #tpu.memory_space<vmem>>) target(%dma_start3A_172 : memref<256x64xf32, #tpu.memory_space<hbm>>) target_semaphore(%dma_start3A_170 : memref<!tpu.dma_semaphore, #tpu.memory_space<semaphore_mem>>)
      %mul3A_177 = arith.constant 5 : i32
      %mul3A_178 = arith.muli %scan3A_90, %mul3A_177 : i32
      %add3A_179 = arith.constant 2 : i32
      %add3A_180 = arith.addi %mul3A_178, %add3A_179 : i32
      %add3A_181 = arith.constant 3 : i32
      %add3A_182 = arith.addi %add3A_180, %add3A_181 : i32
      %lt3A_183 = arith.constant 100 : i32
      %lt3A_184 = arith.cmpi slt, %add3A_182, %lt3A_183 : i32
      %convert_element_type3A_185 = arith.extui %lt3A_184 : i1 to i32
      %cond3A_186 = arith.constant 0 : i32
      %cond3A_187 = arith.cmpi ne, %convert_element_type3A_185, %cond3A_186 : i32
      scf.if %cond3A_187 {
        %add3A_310 = arith.constant 3 : i32
        %add3A_311 = arith.addi %add3A_180, %add3A_310 : i32
        %ge3A = arith.constant 5 : i32
        %ge3A_312 = arith.cmpi sge, %add3A_311, %ge3A : i32
        %convert_element_type3A_313 = arith.extui %ge3A_312 : i1 to i32
        %cond3A_314 = arith.constant 0 : i32
        %cond3A_315 = arith.cmpi ne, %convert_element_type3A_313, %cond3A_314 : i32
        scf.if %cond3A_315 {
          %add3A_332 = arith.constant 3 : i32
          %add3A_333 = arith.addi %add3A_180, %add3A_332 : i32
          %sub3A = arith.constant 5 : i32
          %sub3A_334 = arith.subi %add3A_333, %sub3A : i32
          %mul3A_335 = arith.constant 256 : i32
          %mul3A_336 = arith.muli %sub3A_334, %mul3A_335 : i32
          %add3A_337 = arith.addi %mul3A_2, %mul3A_336 : i32
          %dma_wait3A_338 = arith.constant 0 : i32
          %dma_wait3A_339 = arith.constant 0 : i32
          %dma_wait3A_340 = arith.constant 0 : i32
          %dma_wait3A_341 = arith.constant 0 : i32
          %dma_wait3A_342 = tpu.memref_slice %arg6[%dma_wait3A_338, %dma_wait3A_340, %dma_wait3A_341] : memref<5x256x64xf32, #tpu.memory_space<vmem>> -> memref<1x256x64xf32, #tpu.memory_space<vmem>>
          %dma_wait3A_343 = tpu.memref_squeeze %dma_wait3A_342 : memref<1x256x64xf32, #tpu.memory_space<vmem>> -> memref<256x64xf32, #tpu.memory_space<vmem>>
          %dma_wait3A_344 = arith.constant 0 : i32
          %dma_wait3A_345 = tpu.memref_slice %arg4[%add3A_337, %dma_wait3A_344] : memref<819200x64xf32, #tpu.memory_space<hbm>> -> memref<256x64xf32, #tpu.memory_space<hbm>>
          %dma_wait3A_346 = tpu.memref_slice %arg8[%dma_wait3A_339] : memref<5x!tpu.dma_semaphore, #tpu.memory_space<semaphore_mem>> -> memref<1x!tpu.dma_semaphore, #tpu.memory_space<semaphore_mem>>
          %dma_wait3A_347 = tpu.memref_squeeze %dma_wait3A_346 : memref<1x!tpu.dma_semaphore, #tpu.memory_space<semaphore_mem>> -> memref<!tpu.dma_semaphore, #tpu.memory_space<semaphore_mem>>
          %dma_wait3A_348 = arith.constant 0 : i32
          %dma_wait3A_349 = tpu.memref_slice %arg4[%add3A_337, %dma_wait3A_348] : memref<819200x64xf32, #tpu.memory_space<hbm>> -> memref<256x64xf32, #tpu.memory_space<hbm>>
          %dma_wait3A_350 = arith.constant 0 : i32
          %dma_wait3A_351 = arith.constant 0 : i32
          %dma_wait3A_352 = tpu.memref_slice %arg6[%dma_wait3A_338, %dma_wait3A_350, %dma_wait3A_351] : memref<5x256x64xf32, #tpu.memory_space<vmem>> -> memref<1x256x64xf32, #tpu.memory_space<vmem>>
          %dma_wait3A_353 = tpu.memref_squeeze %dma_wait3A_352 : memref<1x256x64xf32, #tpu.memory_space<vmem>> -> memref<256x64xf32, #tpu.memory_space<vmem>>
          tpu.wait_dma2 semaphore(%dma_wait3A_347 : memref<!tpu.dma_semaphore, #tpu.memory_space<semaphore_mem>>) src(%dma_wait3A_353 : memref<256x64xf32, #tpu.memory_space<vmem>>) dst(%dma_wait3A_349 : memref<256x64xf32, #tpu.memory_space<hbm>>)
        } else {
        }
        %add3A_316 = arith.constant 3 : i32
        %add3A_317 = arith.addi %add3A_180, %add3A_316 : i32
        %dma_start3A_318 = arith.constant 0 : i32
        %dma_start3A_319 = arith.constant 0 : i32
        %dma_start3A_320 = arith.constant 0 : i32
        %dma_start3A_321 = arith.constant 0 : i32
        %dma_start3A_322 = tpu.memref_slice %arg6[%dma_start3A_318, %dma_start3A_320, %dma_start3A_321] : memref<5x256x64xf32, #tpu.memory_space<vmem>> -> memref<1x256x64xf32, #tpu.memory_space<vmem>>
        %dma_start3A_323 = tpu.memref_squeeze %dma_start3A_322 : memref<1x256x64xf32, #tpu.memory_space<vmem>> -> memref<256x64xf32, #tpu.memory_space<vmem>>
        %dma_start3A_324 = arith.constant 0 : i32
        %dma_start3A_325 = tpu.memref_slice %arg5[%add3A_317, %dma_start3A_324] : memref<100x256xi32, #tpu.memory_space<vmem>> -> memref<1x256xi32, #tpu.memory_space<vmem>>
        %dma_start3A_326 = tpu.memref_squeeze %dma_start3A_325 : memref<1x256xi32, #tpu.memory_space<vmem>> -> memref<256xi32, #tpu.memory_space<vmem>>
        %dma_start3A_327 = arith.constant 0 : i32
        %dma_start3A_328 = arith.constant 0 : i32
        %dma_start3A_329 = tpu.memref_slice %arg3[%dma_start3A_327, %dma_start3A_328] : memref<1000000x64xf32, #tpu.memory_space<hbm>> -> memref<1000000x64xf32, #tpu.memory_space<hbm>>
        %dma_start3A_330 = tpu.memref_slice %arg7[%dma_start3A_319] : memref<5x!tpu.dma_semaphore, #tpu.memory_space<semaphore_mem>> -> memref<1x!tpu.dma_semaphore, #tpu.memory_space<semaphore_mem>>
        %dma_start3A_331 = tpu.memref_squeeze %dma_start3A_330 : memref<1x!tpu.dma_semaphore, #tpu.memory_space<semaphore_mem>> -> memref<!tpu.dma_semaphore, #tpu.memory_space<semaphore_mem>>
        tpu.enqueue_indirect_dma source(%dma_start3A_329 : memref<1000000x64xf32, #tpu.memory_space<hbm>>) target(%dma_start3A_323 : memref<256x64xf32, #tpu.memory_space<vmem>>) offsets(%dma_start3A_326 : memref<256xi32, #tpu.memory_space<vmem>>) semaphore(%dma_start3A_331 : memref<!tpu.dma_semaphore, #tpu.memory_space<semaphore_mem>>)
      } else {
      }
      %dma_wait3A_188 = arith.constant 2 : i32
      %dma_wait3A_189 = arith.constant 2 : i32
      %dma_wait3A_190 = arith.constant 0 : i32
      %dma_wait3A_191 = arith.constant 0 : i32
      %dma_wait3A_192 = tpu.memref_slice %arg6[%dma_wait3A_188, %dma_wait3A_190, %dma_wait3A_191] : memref<5x256x64xf32, #tpu.memory_space<vmem>> -> memref<1x256x64xf32, #tpu.memory_space<vmem>>
      %dma_wait3A_193 = tpu.memref_squeeze %dma_wait3A_192 : memref<1x256x64xf32, #tpu.memory_space<vmem>> -> memref<256x64xf32, #tpu.memory_space<vmem>>
      %dma_wait3A_194 = arith.constant 0 : i32
      %dma_wait3A_195 = tpu.memref_slice %arg5[%add3A_180, %dma_wait3A_194] : memref<100x256xi32, #tpu.memory_space<vmem>> -> memref<1x256xi32, #tpu.memory_space<vmem>>
      %dma_wait3A_196 = tpu.memref_squeeze %dma_wait3A_195 : memref<1x256xi32, #tpu.memory_space<vmem>> -> memref<256xi32, #tpu.memory_space<vmem>>
      %dma_wait3A_197 = arith.constant 0 : i32
      %dma_wait3A_198 = arith.constant 0 : i32
      %dma_wait3A_199 = tpu.memref_slice %arg3[%dma_wait3A_197, %dma_wait3A_198] : memref<1000000x64xf32, #tpu.memory_space<hbm>> -> memref<1000000x64xf32, #tpu.memory_space<hbm>>
      %dma_wait3A_200 = tpu.memref_slice %arg7[%dma_wait3A_189] : memref<5x!tpu.dma_semaphore, #tpu.memory_space<semaphore_mem>> -> memref<1x!tpu.dma_semaphore, #tpu.memory_space<semaphore_mem>>
      %dma_wait3A_201 = tpu.memref_squeeze %dma_wait3A_200 : memref<1x!tpu.dma_semaphore, #tpu.memory_space<semaphore_mem>> -> memref<!tpu.dma_semaphore, #tpu.memory_space<semaphore_mem>>
      tpu.wait_indirect_dma semaphore(%dma_wait3A_201 : memref<!tpu.dma_semaphore, #tpu.memory_space<semaphore_mem>>) src(%dma_wait3A_199 : memref<1000000x64xf32, #tpu.memory_space<hbm>>) dst(%dma_wait3A_193 : memref<256x64xf32, #tpu.memory_space<vmem>>)
      %mul3A_202 = arith.constant 256 : i32
      %mul3A_203 = arith.muli %add3A_180, %mul3A_202 : i32
      %add3A_204 = arith.addi %mul3A_2, %mul3A_203 : i32
      %dma_start3A_205 = arith.constant 2 : i32
      %dma_start3A_206 = arith.constant 2 : i32
      %dma_start3A_207 = arith.constant 0 : i32
      %dma_start3A_208 = arith.constant 0 : i32
      %dma_start3A_209 = tpu.memref_slice %arg6[%dma_start3A_205, %dma_start3A_207, %dma_start3A_208] : memref<5x256x64xf32, #tpu.memory_space<vmem>> -> memref<1x256x64xf32, #tpu.memory_space<vmem>>
      %dma_start3A_210 = tpu.memref_squeeze %dma_start3A_209 : memref<1x256x64xf32, #tpu.memory_space<vmem>> -> memref<256x64xf32, #tpu.memory_space<vmem>>
      %dma_start3A_211 = arith.constant 0 : i32
      %dma_start3A_212 = tpu.memref_slice %arg4[%add3A_204, %dma_start3A_211] : memref<819200x64xf32, #tpu.memory_space<hbm>> -> memref<256x64xf32, #tpu.memory_space<hbm>>
      %dma_start3A_213 = tpu.memref_slice %arg8[%dma_start3A_206] : memref<5x!tpu.dma_semaphore, #tpu.memory_space<semaphore_mem>> -> memref<1x!tpu.dma_semaphore, #tpu.memory_space<semaphore_mem>>
      %dma_start3A_214 = tpu.memref_squeeze %dma_start3A_213 : memref<1x!tpu.dma_semaphore, #tpu.memory_space<semaphore_mem>> -> memref<!tpu.dma_semaphore, #tpu.memory_space<semaphore_mem>>
      %dma_start3A_215 = arith.constant 0 : i32
      %dma_start3A_216 = tpu.memref_slice %arg4[%add3A_204, %dma_start3A_215] : memref<819200x64xf32, #tpu.memory_space<hbm>> -> memref<256x64xf32, #tpu.memory_space<hbm>>
      %dma_start3A_217 = arith.constant 0 : i32
      %dma_start3A_218 = arith.constant 0 : i32
      %dma_start3A_219 = tpu.memref_slice %arg6[%dma_start3A_205, %dma_start3A_217, %dma_start3A_218] : memref<5x256x64xf32, #tpu.memory_space<vmem>> -> memref<1x256x64xf32, #tpu.memory_space<vmem>>
      %dma_start3A_220 = tpu.memref_squeeze %dma_start3A_219 : memref<1x256x64xf32, #tpu.memory_space<vmem>> -> memref<256x64xf32, #tpu.memory_space<vmem>>
      tpu.enqueue_dma source(%dma_start3A_220 : memref<256x64xf32, #tpu.memory_space<vmem>>) target(%dma_start3A_216 : memref<256x64xf32, #tpu.memory_space<hbm>>) target_semaphore(%dma_start3A_214 : memref<!tpu.dma_semaphore, #tpu.memory_space<semaphore_mem>>)
      %mul3A_221 = arith.constant 5 : i32
      %mul3A_222 = arith.muli %scan3A_90, %mul3A_221 : i32
      %add3A_223 = arith.constant 3 : i32
      %add3A_224 = arith.addi %mul3A_222, %add3A_223 : i32
      %add3A_225 = arith.constant 3 : i32
      %add3A_226 = arith.addi %add3A_224, %add3A_225 : i32
      %lt3A_227 = arith.constant 100 : i32
      %lt3A_228 = arith.cmpi slt, %add3A_226, %lt3A_227 : i32
      %convert_element_type3A_229 = arith.extui %lt3A_228 : i1 to i32
      %cond3A_230 = arith.constant 0 : i32
      %cond3A_231 = arith.cmpi ne, %convert_element_type3A_229, %cond3A_230 : i32
      scf.if %cond3A_231 {
        %add3A_310 = arith.constant 3 : i32
        %add3A_311 = arith.addi %add3A_224, %add3A_310 : i32
        %ge3A = arith.constant 5 : i32
        %ge3A_312 = arith.cmpi sge, %add3A_311, %ge3A : i32
        %convert_element_type3A_313 = arith.extui %ge3A_312 : i1 to i32
        %cond3A_314 = arith.constant 0 : i32
        %cond3A_315 = arith.cmpi ne, %convert_element_type3A_313, %cond3A_314 : i32
        scf.if %cond3A_315 {
          %add3A_332 = arith.constant 3 : i32
          %add3A_333 = arith.addi %add3A_224, %add3A_332 : i32
          %sub3A = arith.constant 5 : i32
          %sub3A_334 = arith.subi %add3A_333, %sub3A : i32
          %mul3A_335 = arith.constant 256 : i32
          %mul3A_336 = arith.muli %sub3A_334, %mul3A_335 : i32
          %add3A_337 = arith.addi %mul3A_2, %mul3A_336 : i32
          %dma_wait3A_338 = arith.constant 1 : i32
          %dma_wait3A_339 = arith.constant 1 : i32
          %dma_wait3A_340 = arith.constant 0 : i32
          %dma_wait3A_341 = arith.constant 0 : i32
          %dma_wait3A_342 = tpu.memref_slice %arg6[%dma_wait3A_338, %dma_wait3A_340, %dma_wait3A_341] : memref<5x256x64xf32, #tpu.memory_space<vmem>> -> memref<1x256x64xf32, #tpu.memory_space<vmem>>
          %dma_wait3A_343 = tpu.memref_squeeze %dma_wait3A_342 : memref<1x256x64xf32, #tpu.memory_space<vmem>> -> memref<256x64xf32, #tpu.memory_space<vmem>>
          %dma_wait3A_344 = arith.constant 0 : i32
          %dma_wait3A_345 = tpu.memref_slice %arg4[%add3A_337, %dma_wait3A_344] : memref<819200x64xf32, #tpu.memory_space<hbm>> -> memref<256x64xf32, #tpu.memory_space<hbm>>
          %dma_wait3A_346 = tpu.memref_slice %arg8[%dma_wait3A_339] : memref<5x!tpu.dma_semaphore, #tpu.memory_space<semaphore_mem>> -> memref<1x!tpu.dma_semaphore, #tpu.memory_space<semaphore_mem>>
          %dma_wait3A_347 = tpu.memref_squeeze %dma_wait3A_346 : memref<1x!tpu.dma_semaphore, #tpu.memory_space<semaphore_mem>> -> memref<!tpu.dma_semaphore, #tpu.memory_space<semaphore_mem>>
          %dma_wait3A_348 = arith.constant 0 : i32
          %dma_wait3A_349 = tpu.memref_slice %arg4[%add3A_337, %dma_wait3A_348] : memref<819200x64xf32, #tpu.memory_space<hbm>> -> memref<256x64xf32, #tpu.memory_space<hbm>>
          %dma_wait3A_350 = arith.constant 0 : i32
          %dma_wait3A_351 = arith.constant 0 : i32
          %dma_wait3A_352 = tpu.memref_slice %arg6[%dma_wait3A_338, %dma_wait3A_350, %dma_wait3A_351] : memref<5x256x64xf32, #tpu.memory_space<vmem>> -> memref<1x256x64xf32, #tpu.memory_space<vmem>>
          %dma_wait3A_353 = tpu.memref_squeeze %dma_wait3A_352 : memref<1x256x64xf32, #tpu.memory_space<vmem>> -> memref<256x64xf32, #tpu.memory_space<vmem>>
          tpu.wait_dma2 semaphore(%dma_wait3A_347 : memref<!tpu.dma_semaphore, #tpu.memory_space<semaphore_mem>>) src(%dma_wait3A_353 : memref<256x64xf32, #tpu.memory_space<vmem>>) dst(%dma_wait3A_349 : memref<256x64xf32, #tpu.memory_space<hbm>>)
        } else {
        }
        %add3A_316 = arith.constant 3 : i32
        %add3A_317 = arith.addi %add3A_224, %add3A_316 : i32
        %dma_start3A_318 = arith.constant 1 : i32
        %dma_start3A_319 = arith.constant 1 : i32
        %dma_start3A_320 = arith.constant 0 : i32
        %dma_start3A_321 = arith.constant 0 : i32
        %dma_start3A_322 = tpu.memref_slice %arg6[%dma_start3A_318, %dma_start3A_320, %dma_start3A_321] : memref<5x256x64xf32, #tpu.memory_space<vmem>> -> memref<1x256x64xf32, #tpu.memory_space<vmem>>
        %dma_start3A_323 = tpu.memref_squeeze %dma_start3A_322 : memref<1x256x64xf32, #tpu.memory_space<vmem>> -> memref<256x64xf32, #tpu.memory_space<vmem>>
        %dma_start3A_324 = arith.constant 0 : i32
        %dma_start3A_325 = tpu.memref_slice %arg5[%add3A_317, %dma_start3A_324] : memref<100x256xi32, #tpu.memory_space<vmem>> -> memref<1x256xi32, #tpu.memory_space<vmem>>
        %dma_start3A_326 = tpu.memref_squeeze %dma_start3A_325 : memref<1x256xi32, #tpu.memory_space<vmem>> -> memref<256xi32, #tpu.memory_space<vmem>>
        %dma_start3A_327 = arith.constant 0 : i32
        %dma_start3A_328 = arith.constant 0 : i32
        %dma_start3A_329 = tpu.memref_slice %arg3[%dma_start3A_327, %dma_start3A_328] : memref<1000000x64xf32, #tpu.memory_space<hbm>> -> memref<1000000x64xf32, #tpu.memory_space<hbm>>
        %dma_start3A_330 = tpu.memref_slice %arg7[%dma_start3A_319] : memref<5x!tpu.dma_semaphore, #tpu.memory_space<semaphore_mem>> -> memref<1x!tpu.dma_semaphore, #tpu.memory_space<semaphore_mem>>
        %dma_start3A_331 = tpu.memref_squeeze %dma_start3A_330 : memref<1x!tpu.dma_semaphore, #tpu.memory_space<semaphore_mem>> -> memref<!tpu.dma_semaphore, #tpu.memory_space<semaphore_mem>>
        tpu.enqueue_indirect_dma source(%dma_start3A_329 : memref<1000000x64xf32, #tpu.memory_space<hbm>>) target(%dma_start3A_323 : memref<256x64xf32, #tpu.memory_space<vmem>>) offsets(%dma_start3A_326 : memref<256xi32, #tpu.memory_space<vmem>>) semaphore(%dma_start3A_331 : memref<!tpu.dma_semaphore, #tpu.memory_space<semaphore_mem>>)
      } else {
      }
      %dma_wait3A_232 = arith.constant 3 : i32
      %dma_wait3A_233 = arith.constant 3 : i32
      %dma_wait3A_234 = arith.constant 0 : i32
      %dma_wait3A_235 = arith.constant 0 : i32
      %dma_wait3A_236 = tpu.memref_slice %arg6[%dma_wait3A_232, %dma_wait3A_234, %dma_wait3A_235] : memref<5x256x64xf32, #tpu.memory_space<vmem>> -> memref<1x256x64xf32, #tpu.memory_space<vmem>>
      %dma_wait3A_237 = tpu.memref_squeeze %dma_wait3A_236 : memref<1x256x64xf32, #tpu.memory_space<vmem>> -> memref<256x64xf32, #tpu.memory_space<vmem>>
      %dma_wait3A_238 = arith.constant 0 : i32
      %dma_wait3A_239 = tpu.memref_slice %arg5[%add3A_224, %dma_wait3A_238] : memref<100x256xi32, #tpu.memory_space<vmem>> -> memref<1x256xi32, #tpu.memory_space<vmem>>
      %dma_wait3A_240 = tpu.memref_squeeze %dma_wait3A_239 : memref<1x256xi32, #tpu.memory_space<vmem>> -> memref<256xi32, #tpu.memory_space<vmem>>
      %dma_wait3A_241 = arith.constant 0 : i32
      %dma_wait3A_242 = arith.constant 0 : i32
      %dma_wait3A_243 = tpu.memref_slice %arg3[%dma_wait3A_241, %dma_wait3A_242] : memref<1000000x64xf32, #tpu.memory_space<hbm>> -> memref<1000000x64xf32, #tpu.memory_space<hbm>>
      %dma_wait3A_244 = tpu.memref_slice %arg7[%dma_wait3A_233] : memref<5x!tpu.dma_semaphore, #tpu.memory_space<semaphore_mem>> -> memref<1x!tpu.dma_semaphore, #tpu.memory_space<semaphore_mem>>
      %dma_wait3A_245 = tpu.memref_squeeze %dma_wait3A_244 : memref<1x!tpu.dma_semaphore, #tpu.memory_space<semaphore_mem>> -> memref<!tpu.dma_semaphore, #tpu.memory_space<semaphore_mem>>
      tpu.wait_indirect_dma semaphore(%dma_wait3A_245 : memref<!tpu.dma_semaphore, #tpu.memory_space<semaphore_mem>>) src(%dma_wait3A_243 : memref<1000000x64xf32, #tpu.memory_space<hbm>>) dst(%dma_wait3A_237 : memref<256x64xf32, #tpu.memory_space<vmem>>)
      %mul3A_246 = arith.constant 256 : i32
      %mul3A_247 = arith.muli %add3A_224, %mul3A_246 : i32
      %add3A_248 = arith.addi %mul3A_2, %mul3A_247 : i32
      %dma_start3A_249 = arith.constant 3 : i32
      %dma_start3A_250 = arith.constant 3 : i32
      %dma_start3A_251 = arith.constant 0 : i32
      %dma_start3A_252 = arith.constant 0 : i32
      %dma_start3A_253 = tpu.memref_slice %arg6[%dma_start3A_249, %dma_start3A_251, %dma_start3A_252] : memref<5x256x64xf32, #tpu.memory_space<vmem>> -> memref<1x256x64xf32, #tpu.memory_space<vmem>>
      %dma_start3A_254 = tpu.memref_squeeze %dma_start3A_253 : memref<1x256x64xf32, #tpu.memory_space<vmem>> -> memref<256x64xf32, #tpu.memory_space<vmem>>
      %dma_start3A_255 = arith.constant 0 : i32
      %dma_start3A_256 = tpu.memref_slice %arg4[%add3A_248, %dma_start3A_255] : memref<819200x64xf32, #tpu.memory_space<hbm>> -> memref<256x64xf32, #tpu.memory_space<hbm>>
      %dma_start3A_257 = tpu.memref_slice %arg8[%dma_start3A_250] : memref<5x!tpu.dma_semaphore, #tpu.memory_space<semaphore_mem>> -> memref<1x!tpu.dma_semaphore, #tpu.memory_space<semaphore_mem>>
      %dma_start3A_258 = tpu.memref_squeeze %dma_start3A_257 : memref<1x!tpu.dma_semaphore, #tpu.memory_space<semaphore_mem>> -> memref<!tpu.dma_semaphore, #tpu.memory_space<semaphore_mem>>
      %dma_start3A_259 = arith.constant 0 : i32
      %dma_start3A_260 = tpu.memref_slice %arg4[%add3A_248, %dma_start3A_259] : memref<819200x64xf32, #tpu.memory_space<hbm>> -> memref<256x64xf32, #tpu.memory_space<hbm>>
      %dma_start3A_261 = arith.constant 0 : i32
      %dma_start3A_262 = arith.constant 0 : i32
      %dma_start3A_263 = tpu.memref_slice %arg6[%dma_start3A_249, %dma_start3A_261, %dma_start3A_262] : memref<5x256x64xf32, #tpu.memory_space<vmem>> -> memref<1x256x64xf32, #tpu.memory_space<vmem>>
      %dma_start3A_264 = tpu.memref_squeeze %dma_start3A_263 : memref<1x256x64xf32, #tpu.memory_space<vmem>> -> memref<256x64xf32, #tpu.memory_space<vmem>>
      tpu.enqueue_dma source(%dma_start3A_264 : memref<256x64xf32, #tpu.memory_space<vmem>>) target(%dma_start3A_260 : memref<256x64xf32, #tpu.memory_space<hbm>>) target_semaphore(%dma_start3A_258 : memref<!tpu.dma_semaphore, #tpu.memory_space<semaphore_mem>>)
      %mul3A_265 = arith.constant 5 : i32
      %mul3A_266 = arith.muli %scan3A_90, %mul3A_265 : i32
      %add3A_267 = arith.constant 4 : i32
      %add3A_268 = arith.addi %mul3A_266, %add3A_267 : i32
      %add3A_269 = arith.constant 3 : i32
      %add3A_270 = arith.addi %add3A_268, %add3A_269 : i32
      %lt3A_271 = arith.constant 100 : i32
      %lt3A_272 = arith.cmpi slt, %add3A_270, %lt3A_271 : i32
      %convert_element_type3A_273 = arith.extui %lt3A_272 : i1 to i32
      %cond3A_274 = arith.constant 0 : i32
      %cond3A_275 = arith.cmpi ne, %convert_element_type3A_273, %cond3A_274 : i32
      scf.if %cond3A_275 {
        %add3A_310 = arith.constant 3 : i32
        %add3A_311 = arith.addi %add3A_268, %add3A_310 : i32
        %ge3A = arith.constant 5 : i32
        %ge3A_312 = arith.cmpi sge, %add3A_311, %ge3A : i32
        %convert_element_type3A_313 = arith.extui %ge3A_312 : i1 to i32
        %cond3A_314 = arith.constant 0 : i32
        %cond3A_315 = arith.cmpi ne, %convert_element_type3A_313, %cond3A_314 : i32
        scf.if %cond3A_315 {
          %add3A_332 = arith.constant 3 : i32
          %add3A_333 = arith.addi %add3A_268, %add3A_332 : i32
          %sub3A = arith.constant 5 : i32
          %sub3A_334 = arith.subi %add3A_333, %sub3A : i32
          %mul3A_335 = arith.constant 256 : i32
          %mul3A_336 = arith.muli %sub3A_334, %mul3A_335 : i32
          %add3A_337 = arith.addi %mul3A_2, %mul3A_336 : i32
          %dma_wait3A_338 = arith.constant 2 : i32
          %dma_wait3A_339 = arith.constant 2 : i32
          %dma_wait3A_340 = arith.constant 0 : i32
          %dma_wait3A_341 = arith.constant 0 : i32
          %dma_wait3A_342 = tpu.memref_slice %arg6[%dma_wait3A_338, %dma_wait3A_340, %dma_wait3A_341] : memref<5x256x64xf32, #tpu.memory_space<vmem>> -> memref<1x256x64xf32, #tpu.memory_space<vmem>>
          %dma_wait3A_343 = tpu.memref_squeeze %dma_wait3A_342 : memref<1x256x64xf32, #tpu.memory_space<vmem>> -> memref<256x64xf32, #tpu.memory_space<vmem>>
          %dma_wait3A_344 = arith.constant 0 : i32
          %dma_wait3A_345 = tpu.memref_slice %arg4[%add3A_337, %dma_wait3A_344] : memref<819200x64xf32, #tpu.memory_space<hbm>> -> memref<256x64xf32, #tpu.memory_space<hbm>>
          %dma_wait3A_346 = tpu.memref_slice %arg8[%dma_wait3A_339] : memref<5x!tpu.dma_semaphore, #tpu.memory_space<semaphore_mem>> -> memref<1x!tpu.dma_semaphore, #tpu.memory_space<semaphore_mem>>
          %dma_wait3A_347 = tpu.memref_squeeze %dma_wait3A_346 : memref<1x!tpu.dma_semaphore, #tpu.memory_space<semaphore_mem>> -> memref<!tpu.dma_semaphore, #tpu.memory_space<semaphore_mem>>
          %dma_wait3A_348 = arith.constant 0 : i32
          %dma_wait3A_349 = tpu.memref_slice %arg4[%add3A_337, %dma_wait3A_348] : memref<819200x64xf32, #tpu.memory_space<hbm>> -> memref<256x64xf32, #tpu.memory_space<hbm>>
          %dma_wait3A_350 = arith.constant 0 : i32
          %dma_wait3A_351 = arith.constant 0 : i32
          %dma_wait3A_352 = tpu.memref_slice %arg6[%dma_wait3A_338, %dma_wait3A_350, %dma_wait3A_351] : memref<5x256x64xf32, #tpu.memory_space<vmem>> -> memref<1x256x64xf32, #tpu.memory_space<vmem>>
          %dma_wait3A_353 = tpu.memref_squeeze %dma_wait3A_352 : memref<1x256x64xf32, #tpu.memory_space<vmem>> -> memref<256x64xf32, #tpu.memory_space<vmem>>
          tpu.wait_dma2 semaphore(%dma_wait3A_347 : memref<!tpu.dma_semaphore, #tpu.memory_space<semaphore_mem>>) src(%dma_wait3A_353 : memref<256x64xf32, #tpu.memory_space<vmem>>) dst(%dma_wait3A_349 : memref<256x64xf32, #tpu.memory_space<hbm>>)
        } else {
        }
        %add3A_316 = arith.constant 3 : i32
        %add3A_317 = arith.addi %add3A_268, %add3A_316 : i32
        %dma_start3A_318 = arith.constant 2 : i32
        %dma_start3A_319 = arith.constant 2 : i32
        %dma_start3A_320 = arith.constant 0 : i32
        %dma_start3A_321 = arith.constant 0 : i32
        %dma_start3A_322 = tpu.memref_slice %arg6[%dma_start3A_318, %dma_start3A_320, %dma_start3A_321] : memref<5x256x64xf32, #tpu.memory_space<vmem>> -> memref<1x256x64xf32, #tpu.memory_space<vmem>>
        %dma_start3A_323 = tpu.memref_squeeze %dma_start3A_322 : memref<1x256x64xf32, #tpu.memory_space<vmem>> -> memref<256x64xf32, #tpu.memory_space<vmem>>
        %dma_start3A_324 = arith.constant 0 : i32
        %dma_start3A_325 = tpu.memref_slice %arg5[%add3A_317, %dma_start3A_324] : memref<100x256xi32, #tpu.memory_space<vmem>> -> memref<1x256xi32, #tpu.memory_space<vmem>>
        %dma_start3A_326 = tpu.memref_squeeze %dma_start3A_325 : memref<1x256xi32, #tpu.memory_space<vmem>> -> memref<256xi32, #tpu.memory_space<vmem>>
        %dma_start3A_327 = arith.constant 0 : i32
        %dma_start3A_328 = arith.constant 0 : i32
        %dma_start3A_329 = tpu.memref_slice %arg3[%dma_start3A_327, %dma_start3A_328] : memref<1000000x64xf32, #tpu.memory_space<hbm>> -> memref<1000000x64xf32, #tpu.memory_space<hbm>>
        %dma_start3A_330 = tpu.memref_slice %arg7[%dma_start3A_319] : memref<5x!tpu.dma_semaphore, #tpu.memory_space<semaphore_mem>> -> memref<1x!tpu.dma_semaphore, #tpu.memory_space<semaphore_mem>>
        %dma_start3A_331 = tpu.memref_squeeze %dma_start3A_330 : memref<1x!tpu.dma_semaphore, #tpu.memory_space<semaphore_mem>> -> memref<!tpu.dma_semaphore, #tpu.memory_space<semaphore_mem>>
        tpu.enqueue_indirect_dma source(%dma_start3A_329 : memref<1000000x64xf32, #tpu.memory_space<hbm>>) target(%dma_start3A_323 : memref<256x64xf32, #tpu.memory_space<vmem>>) offsets(%dma_start3A_326 : memref<256xi32, #tpu.memory_space<vmem>>) semaphore(%dma_start3A_331 : memref<!tpu.dma_semaphore, #tpu.memory_space<semaphore_mem>>)
      } else {
      }
      %dma_wait3A_276 = arith.constant 4 : i32
      %dma_wait3A_277 = arith.constant 4 : i32
      %dma_wait3A_278 = arith.constant 0 : i32
      %dma_wait3A_279 = arith.constant 0 : i32
      %dma_wait3A_280 = tpu.memref_slice %arg6[%dma_wait3A_276, %dma_wait3A_278, %dma_wait3A_279] : memref<5x256x64xf32, #tpu.memory_space<vmem>> -> memref<1x256x64xf32, #tpu.memory_space<vmem>>
      %dma_wait3A_281 = tpu.memref_squeeze %dma_wait3A_280 : memref<1x256x64xf32, #tpu.memory_space<vmem>> -> memref<256x64xf32, #tpu.memory_space<vmem>>
      %dma_wait3A_282 = arith.constant 0 : i32
      %dma_wait3A_283 = tpu.memref_slice %arg5[%add3A_268, %dma_wait3A_282] : memref<100x256xi32, #tpu.memory_space<vmem>> -> memref<1x256xi32, #tpu.memory_space<vmem>>
      %dma_wait3A_284 = tpu.memref_squeeze %dma_wait3A_283 : memref<1x256xi32, #tpu.memory_space<vmem>> -> memref<256xi32, #tpu.memory_space<vmem>>
      %dma_wait3A_285 = arith.constant 0 : i32
      %dma_wait3A_286 = arith.constant 0 : i32
      %dma_wait3A_287 = tpu.memref_slice %arg3[%dma_wait3A_285, %dma_wait3A_286] : memref<1000000x64xf32, #tpu.memory_space<hbm>> -> memref<1000000x64xf32, #tpu.memory_space<hbm>>
      %dma_wait3A_288 = tpu.memref_slice %arg7[%dma_wait3A_277] : memref<5x!tpu.dma_semaphore, #tpu.memory_space<semaphore_mem>> -> memref<1x!tpu.dma_semaphore, #tpu.memory_space<semaphore_mem>>
      %dma_wait3A_289 = tpu.memref_squeeze %dma_wait3A_288 : memref<1x!tpu.dma_semaphore, #tpu.memory_space<semaphore_mem>> -> memref<!tpu.dma_semaphore, #tpu.memory_space<semaphore_mem>>
      tpu.wait_indirect_dma semaphore(%dma_wait3A_289 : memref<!tpu.dma_semaphore, #tpu.memory_space<semaphore_mem>>) src(%dma_wait3A_287 : memref<1000000x64xf32, #tpu.memory_space<hbm>>) dst(%dma_wait3A_281 : memref<256x64xf32, #tpu.memory_space<vmem>>)
      %mul3A_290 = arith.constant 256 : i32
      %mul3A_291 = arith.muli %add3A_268, %mul3A_290 : i32
      %add3A_292 = arith.addi %mul3A_2, %mul3A_291 : i32
      %dma_start3A_293 = arith.constant 4 : i32
      %dma_start3A_294 = arith.constant 4 : i32
      %dma_start3A_295 = arith.constant 0 : i32
      %dma_start3A_296 = arith.constant 0 : i32
      %dma_start3A_297 = tpu.memref_slice %arg6[%dma_start3A_293, %dma_start3A_295, %dma_start3A_296] : memref<5x256x64xf32, #tpu.memory_space<vmem>> -> memref<1x256x64xf32, #tpu.memory_space<vmem>>
      %dma_start3A_298 = tpu.memref_squeeze %dma_start3A_297 : memref<1x256x64xf32, #tpu.memory_space<vmem>> -> memref<256x64xf32, #tpu.memory_space<vmem>>
      %dma_start3A_299 = arith.constant 0 : i32
      %dma_start3A_300 = tpu.memref_slice %arg4[%add3A_292, %dma_start3A_299] : memref<819200x64xf32, #tpu.memory_space<hbm>> -> memref<256x64xf32, #tpu.memory_space<hbm>>
      %dma_start3A_301 = tpu.memref_slice %arg8[%dma_start3A_294] : memref<5x!tpu.dma_semaphore, #tpu.memory_space<semaphore_mem>> -> memref<1x!tpu.dma_semaphore, #tpu.memory_space<semaphore_mem>>
      %dma_start3A_302 = tpu.memref_squeeze %dma_start3A_301 : memref<1x!tpu.dma_semaphore, #tpu.memory_space<semaphore_mem>> -> memref<!tpu.dma_semaphore, #tpu.memory_space<semaphore_mem>>
      %dma_start3A_303 = arith.constant 0 : i32
      %dma_start3A_304 = tpu.memref_slice %arg4[%add3A_292, %dma_start3A_303] : memref<819200x64xf32, #tpu.memory_space<hbm>> -> memref<256x64xf32, #tpu.memory_space<hbm>>
      %dma_start3A_305 = arith.constant 0 : i32
      %dma_start3A_306 = arith.constant 0 : i32
      %dma_start3A_307 = tpu.memref_slice %arg6[%dma_start3A_293, %dma_start3A_305, %dma_start3A_306] : memref<5x256x64xf32, #tpu.memory_space<vmem>> -> memref<1x256x64xf32, #tpu.memory_space<vmem>>
      %dma_start3A_308 = tpu.memref_squeeze %dma_start3A_307 : memref<1x256x64xf32, #tpu.memory_space<vmem>> -> memref<256x64xf32, #tpu.memory_space<vmem>>
      tpu.enqueue_dma source(%dma_start3A_308 : memref<256x64xf32, #tpu.memory_space<vmem>>) target(%dma_start3A_304 : memref<256x64xf32, #tpu.memory_space<hbm>>) target_semaphore(%dma_start3A_302 : memref<!tpu.dma_semaphore, #tpu.memory_space<semaphore_mem>>)
      %scan3A_309 = arith.constant 0 : i32
      scf.yield %scan3A_309 : i32
    }
    %scan3A_54 = arith.constant 20 : i32
    %add3A_55 = arith.constant 25088 : i32
    %add3A_56 = arith.addi %mul3A_2, %add3A_55 : i32
    %dma_wait3A = arith.constant 3 : i32
    %dma_wait3A_57 = arith.constant 3 : i32
    %dma_wait3A_58 = arith.constant 0 : i32
    %dma_wait3A_59 = arith.constant 0 : i32
    %dma_wait3A_60 = tpu.memref_slice %arg6[%dma_wait3A, %dma_wait3A_58, %dma_wait3A_59] : memref<5x256x64xf32, #tpu.memory_space<vmem>> -> memref<1x256x64xf32, #tpu.memory_space<vmem>>
    %dma_wait3A_61 = tpu.memref_squeeze %dma_wait3A_60 : memref<1x256x64xf32, #tpu.memory_space<vmem>> -> memref<256x64xf32, #tpu.memory_space<vmem>>
    %dma_wait3A_62 = arith.constant 0 : i32
    %dma_wait3A_63 = tpu.memref_slice %arg4[%add3A_56, %dma_wait3A_62] : memref<819200x64xf32, #tpu.memory_space<hbm>> -> memref<256x64xf32, #tpu.memory_space<hbm>>
    %dma_wait3A_64 = tpu.memref_slice %arg8[%dma_wait3A_57] : memref<5x!tpu.dma_semaphore, #tpu.memory_space<semaphore_mem>> -> memref<1x!tpu.dma_semaphore, #tpu.memory_space<semaphore_mem>>
    %dma_wait3A_65 = tpu.memref_squeeze %dma_wait3A_64 : memref<1x!tpu.dma_semaphore, #tpu.memory_space<semaphore_mem>> -> memref<!tpu.dma_semaphore, #tpu.memory_space<semaphore_mem>>
    %dma_wait3A_66 = arith.constant 0 : i32
    %dma_wait3A_67 = tpu.memref_slice %arg4[%add3A_56, %dma_wait3A_66] : memref<819200x64xf32, #tpu.memory_space<hbm>> -> memref<256x64xf32, #tpu.memory_space<hbm>>
    %dma_wait3A_68 = arith.constant 0 : i32
    %dma_wait3A_69 = arith.constant 0 : i32
    %dma_wait3A_70 = tpu.memref_slice %arg6[%dma_wait3A, %dma_wait3A_68, %dma_wait3A_69] : memref<5x256x64xf32, #tpu.memory_space<vmem>> -> memref<1x256x64xf32, #tpu.memory_space<vmem>>
    %dma_wait3A_71 = tpu.memref_squeeze %dma_wait3A_70 : memref<1x256x64xf32, #tpu.memory_space<vmem>> -> memref<256x64xf32, #tpu.memory_space<vmem>>
    tpu.wait_dma2 semaphore(%dma_wait3A_65 : memref<!tpu.dma_semaphore, #tpu.memory_space<semaphore_mem>>) src(%dma_wait3A_71 : memref<256x64xf32, #tpu.memory_space<vmem>>) dst(%dma_wait3A_67 : memref<256x64xf32, #tpu.memory_space<hbm>>)
    %add3A_72 = arith.constant 25344 : i32
    %add3A_73 = arith.addi %mul3A_2, %add3A_72 : i32
    %dma_wait3A_74 = arith.constant 4 : i32
    %dma_wait3A_75 = arith.constant 4 : i32
    %dma_wait3A_76 = arith.constant 0 : i32
    %dma_wait3A_77 = arith.constant 0 : i32
    %dma_wait3A_78 = tpu.memref_slice %arg6[%dma_wait3A_74, %dma_wait3A_76, %dma_wait3A_77] : memref<5x256x64xf32, #tpu.memory_space<vmem>> -> memref<1x256x64xf32, #tpu.memory_space<vmem>>
    %dma_wait3A_79 = tpu.memref_squeeze %dma_wait3A_78 : memref<1x256x64xf32, #tpu.memory_space<vmem>> -> memref<256x64xf32, #tpu.memory_space<vmem>>
    %dma_wait3A_80 = arith.constant 0 : i32
    %dma_wait3A_81 = tpu.memref_slice %arg4[%add3A_73, %dma_wait3A_80] : memref<819200x64xf32, #tpu.memory_space<hbm>> -> memref<256x64xf32, #tpu.memory_space<hbm>>
    %dma_wait3A_82 = tpu.memref_slice %arg8[%dma_wait3A_75] : memref<5x!tpu.dma_semaphore, #tpu.memory_space<semaphore_mem>> -> memref<1x!tpu.dma_semaphore, #tpu.memory_space<semaphore_mem>>
    %dma_wait3A_83 = tpu.memref_squeeze %dma_wait3A_82 : memref<1x!tpu.dma_semaphore, #tpu.memory_space<semaphore_mem>> -> memref<!tpu.dma_semaphore, #tpu.memory_space<semaphore_mem>>
    %dma_wait3A_84 = arith.constant 0 : i32
    %dma_wait3A_85 = tpu.memref_slice %arg4[%add3A_73, %dma_wait3A_84] : memref<819200x64xf32, #tpu.memory_space<hbm>> -> memref<256x64xf32, #tpu.memory_space<hbm>>
    %dma_wait3A_86 = arith.constant 0 : i32
    %dma_wait3A_87 = arith.constant 0 : i32
    %dma_wait3A_88 = tpu.memref_slice %arg6[%dma_wait3A_74, %dma_wait3A_86, %dma_wait3A_87] : memref<5x256x64xf32, #tpu.memory_space<vmem>> -> memref<1x256x64xf32, #tpu.memory_space<vmem>>
    %dma_wait3A_89 = tpu.memref_squeeze %dma_wait3A_88 : memref<1x256x64xf32, #tpu.memory_space<vmem>> -> memref<256x64xf32, #tpu.memory_space<vmem>>
    tpu.wait_dma2 semaphore(%dma_wait3A_83 : memref<!tpu.dma_semaphore, #tpu.memory_space<semaphore_mem>>) src(%dma_wait3A_89 : memref<256x64xf32, #tpu.memory_space<vmem>>) dst(%dma_wait3A_85 : memref<256x64xf32, #tpu.memory_space<hbm>>)
    return
  }
}

</mosaic_0001>

<sc_bundles>
// kernel: _run.3.cloned.1.call-start
scs
__scs_entry_jumppad:
0x0: {  	(pc) =	sbr.rel $0x88, $3  }
0x1: {  	(tag) =	ssettag $0x0;
	lr =	simm.s32 $0x1  }
0x2: {  	[smem:$0x3F9F] =	sst lr;
	_ =	strace $0xD0000000  }
0x3: {  	_ = 	snop  }
0x4: {  	_ = 	snop  }
0x5: {  	_ = 	snop  }
0x6: {  	_ = 	snop  }
0x7: {  	_ = 	snop  }
__scs_overlays_trampoline_lowered:
0x8: {  	[smem:$0x3FAE] =	sst s0  }
0x9: {  	[smem:$0x3FAF] =	sst s1  }
0xa: {  	[smem:$0x3FB0] =	sst s2  }
0xb: {  	[smem:$0x3FB1] =	sst s3  }
0xc: {  	[smem:$0x3FB2] =	sst s4  }
0xd: {  	[smem:$0x3FB3] =	sst s5  }
0xe: {  	[smem:$0x3FB4] =	sst s6  }
0xf: {  	[smem:$0x3FB5] =	sst s7  }
0x10: {  	[smem:$0x3FB6] =	sst s8  }
0x11: {  	[smem:$0x3FB7] =	sst s9;
	s0 =	simm.s32 @!p0 $0x0  }
0x12: {  	s1 =	sld [smem:$0x3F9D];
	s0 =	simm.s32 @p0 $0x1  }
0x13: {  	[smem:$0x3FB8] =	sst s0;
	s0 =	simm.s32 @!p1 $0x0  }
0x14: {  	s2 =	sld [smem:$0x3F9C];
	s0 =	simm.s32 @p1 $0x1  }
0x15: {  	[smem:$0x3FB9] =	sst s0;
	s0 =	simm.s32 @!p2 $0x0  }
0x16: {  	s3 =	sld [smem:$0x3FDB];
	s0 =	simm.s32 @p2 $0x1  }
0x17: {  	s4 =	simm.s32 $0x1BF5;
	[smem:$0x3FBB] =	sst s0  }
0x18: {  	s0 =	sld [smem:$0x3F9E];
	_ =	swait.ge [sflag:s4], $0x0  }
0x19: {  	s7 =	sld [smem:$0x3F9F]  }
0x1a: {  	s8 =	sadd.s32 $0xFFFFE003, lr  }
0x1b: {  	s9 =	sadd.s32 $0xFFFFFEF7, lr;
	s5 =	simm.s32 $0xFFFFFFFF;
	p2 =	slt.u32 s8, $0xFFFFF086  }
0x1c: {  	p1 =	slt.u32 s9, $0xF7A;
	s5 =	simm.s32 @!p2 $0x0  }
0x1d: {  	s5 =	simm.s32 @p1 $0x1;
	p0 =	seq.s32 s7, s2  }
0x1e: {  	s7 =	smul.u32 @!p0 $0xF7A, s2;
	p2 =	seq.s32 @!p0 s5, $0x0  }
0x1f: {  	s9 =	smul.u32 $0xF7A, s1;
	s8 =	simm.s32 @!p0 $0x1BF5;
	p2 =	por !p2, p0  }
0x20: {  	[sflag:s8] =	ssyncset.s32 @!p0 $0xFFFFF086;
	s6 =	sadd.s32 @!p0 s3, s7;
	s7 =	simm.s32 @!p0 $0x108  }
0x21: {  	s3 =	sadd.s32 s3, s9;
	s6 =	sadd.s32 @!p0 $0x88, s6;
	s7 =	simm.s32 @p2 $0x1082  }
0x22: {  	[simem:s7], [sflag:s8] =	dma.local @!p0 [hbm:s6], $0xF7A  }
0x23: {  	s9 =	sor.u32 $0xD0000000, s2;
	s6 =	simm.s32 $0x108;
	_ =	swait.ge @!p0 [sflag:s8], $0x0  }
0x24: {  	s3 =	sadd.s32 $0x88, s3;
	s6 =	simm.s32 @!p1 $0x1082;
	[sflag:s4] =	ssyncset.s32 $0xFFFFF086  }
0x25: {  	[simem:s6], [sflag:s4] =	dma.local [hbm:s3], $0xF7A  }
0x26: {  	[smem:$0x3F9F] =	sst s1;
	(tag) =	ssettag s2;
	_ =	strace s9  }
0x27: {  	s1 =	sld [smem:$0x3FAF]  }
0x28: {  	s2 =	sld [smem:$0x3FB0]  }
0x29: {  	s4 =	sld [smem:$0x3FB2]  }
0x2a: {  	p0 =	seq.s32 s5, $0x0;
	s5 =	sld [smem:$0x3FB3]  }
0x2b: {  	s6 =	sld [smem:$0x3FB4]  }
0x2c: {  	s7 =	sld [smem:$0x3FB5]  }
0x2d: {  	s3 =	simm.s32 $0x108;
	s8 =	sld [smem:$0x3FB6]  }
0x2e: {  	s3 =	simm.s32 @!p0 $0x1082;
	s9 =	sld [smem:$0x3FB7]  }
0x2f: {  	lr =	sadd.s32 s0, s3;
	s0 =	sld [smem:$0x3FAE]  }
0x30: {  	s3 =	sld [smem:$0x3FB1]  }
0x31: {  	[smem:$0x3FBA] =	sst s10  }
0x32: {  	s10 =	sld [smem:$0x3FB8];
	_ =	sdelay $0x3  }
0x33: {  	p0 =	seq.s32 s10, $0x1;
	s10 =	sld [smem:$0x3FBA];
	_ =	sdelay $0x3  }
0x34: {  	[smem:$0x3FBA] =	sst s10  }
0x35: {  	s10 =	sld [smem:$0x3FB9];
	_ =	sdelay $0x3  }
0x36: {  	p1 =	seq.s32 s10, $0x1;
	s10 =	sld [smem:$0x3FBA];
	_ =	sdelay $0x3  }
0x37: {  	[smem:$0x3FBA] =	sst s10  }
0x38: {  	s10 =	sld [smem:$0x3FBB]  }
0x39: {  	_ = 	snop;
	(pc) =	sbr.ind lr, $3  }
0x3a: {  	_ = 	snop  }
0x3b: {  	_ = 	snop  }
0x3c: {  	p2 =	seq.s32 s10, $0x1;
	s10 =	sld [smem:$0x3FBA]  }
0x3d: {  	_ =	shalt  }
0x3e: {  	_ =	shalt  }
0x3f: {  	_ =	shalt  }
0x40: {  	_ =	shalt  }
0x41: {  	_ =	shalt  }
0x42: {  	_ =	shalt  }
0x43: {  	_ =	shalt  }
0x44: {  	_ =	shalt  }
0x45: {  	_ =	shalt  }
0x46: {  	_ =	shalt  }
0x47: {  	_ =	shalt  }
0x48: {  	_ =	shalt  }
0x49: {  	_ =	shalt  }
0x4a: {  	_ =	shalt  }
0x4b: {  	_ =	shalt  }
0x4c: {  	_ =	shalt  }
0x4d: {  	_ =	shalt  }
0x4e: {  	_ =	shalt  }
0x4f: {  	_ =	shalt  }
0x50: {  	_ =	shalt  }
0x51: {  	_ =	shalt  }
0x52: {  	_ =	shalt  }
0x53: {  	_ =	shalt  }
0x54: {  	_ =	shalt  }
0x55: {  	_ =	shalt  }
0x56: {  	_ =	shalt  }
0x57: {  	_ =	shalt  }
0x58: {  	_ =	shalt  }
0x59: {  	_ =	shalt  }
0x5a: {  	_ =	shalt  }
0x5b: {  	_ =	shalt  }
0x5c: {  	_ =	shalt  }
0x5d: {  	_ =	shalt  }
0x5e: {  	_ =	shalt  }
0x5f: {  	_ =	shalt  }
0x60: {  	_ =	shalt  }
0x61: {  	_ =	shalt  }
0x62: {  	_ =	shalt  }
0x63: {  	_ =	shalt  }
0x64: {  	_ =	shalt  }
0x65: {  	_ =	shalt  }
0x66: {  	_ =	shalt  }
0x67: {  	_ =	shalt  }
0x68: {  	_ =	shalt  }
0x69: {  	_ =	shalt  }
0x6a: {  	_ =	shalt  }
0x6b: {  	_ =	shalt  }
0x6c: {  	_ =	shalt  }
0x6d: {  	_ =	shalt  }
0x6e: {  	_ =	shalt  }
0x6f: {  	_ =	shalt  }
0x70: {  	_ =	shalt  }
0x71: {  	_ =	shalt  }
0x72: {  	_ =	shalt  }
0x73: {  	_ =	shalt  }
0x74: {  	_ =	shalt  }
0x75: {  	_ =	shalt  }
0x76: {  	_ =	shalt  }
0x77: {  	_ =	shalt  }
0x78: {  	_ =	shalt  }
0x79: {  	_ =	shalt  }
0x7a: {  	_ =	shalt  }
0x7b: {  	_ =	shalt  }
0x7c: {  	_ =	shalt  }
0x7d: {  	_ =	shalt  }
0x7e: {  	_ =	shalt  }
0x7f: {  	_ =	shalt  }
0x80: {  	_ =	shalt  }
0x81: {  	_ =	shalt  }
0x82: {  	_ =	shalt  }
0x83: {  	_ =	shalt  }
0x84: {  	_ =	shalt  }
0x85: {  	_ =	shalt  }
0x86: {  	_ =	shalt  }
0x87: {  	_ =	shalt  }
.Lfunc_end0:
.L_simem_size_0:
called_computation.1_lowered:
.L_overlay_start_0:
0x88: {  	s2 =	sld [smem:$0x3FD9]  }
0x89: {  	s3 =	sld [smem:$0x3FFE];
	_ =	sdelay $0x1  }
0x8a: {  	s1 =	srdreg.scid  }
0x8b: {  	s0 =	sand.u32 $0x1, s1  }
0x8c: {  	s17 =	sshll.u32 s0, $0xA;
	s2 =	sadd.s32 s3, s2  }
0x8d: {  	s2 =	sadd.s32 s2, s17  }
0x8e: {  	[smem:$0x3FC6] =	sst s2  }
0x8f: {  	_ = 	snop  }
0x90: {  	s2 =	sld [smem:$0x3FD0];
	(tm) =	ssettm $0x1  }
0x91: {  	s18 =	sld [smem:$0x3FFB];
	_ =	sdelay $0x3  }
0x92: {  	_ =	strace s18  }
0x93: {  	s3 =	sld [smem:$0x3FFC];
	_ =	sdelay $0x3  }
0x94: {  	_ =	strace s3  }
0x95: {  	s3 =	sld [smem:$0x3FFD];
	_ =	sdelay $0x3  }
0x96: {  	_ =	strace s3  }
0x97: {  	_ =	strace $0x8FFFFFFF  }
0x98: {  	s19 =	sld [smem:$0x3FDB];
	_ =	sdelay $0x1  }
0x99: {  	s4 =	simm.s32 $_scs_section_size  }
0x9a: {  	s5 =	simm.s32 $_size__tile_overlayer_lowered;
	s6 =	simm.s32 $_tile_overlayer_lowered  }
0x9b: {  	s22 =	simm.s32 $0x1BFF;
	s21 =	sshll.u32 s6, $0x1;
	s3 =	sadd.s32 s4, s19  }
0x9c: {  	s7 =	simm.s32 $0x0;
	s20 =	sshll.u32 s5, $0x1;
	s5 =	sadd.s32 s21, s3  }
0x9d: {  	[timem:s7], [sflag:s22] =	dma.local [hbm:s5], s20  }
0x9e: {  	_ =	swait.ge [sflag:s22], s20  }
0x9f: {  	s4 =	ssub.s32 $0x0, s20;
	[sflag:s22] =	ssyncset.done $0x0  }
0xa0: {  	[sflag:s22] =	ssyncadd.s32 s4;
	_ =	sdelay $0x1  }
0xa1: {  	s23 =	simm.s32 $0x1B8B  }
0xa2: {  	_ =	swait.ge [sflag:s23], $0x1  }
0xa3: {  	[sflag:s23] =	ssyncset.done $0x0  }
0xa4: {  	s25 =	simm.s32 $0x1B8E;
	s24 =	sld [smem:$0x3FFE];
	[sflag:s23] =	ssyncadd.s32 $0xFFFFFFFF  }
0xa5: {  	s26 =	simm.s32 $execute0_lowered;
	[smem:$0x3FD2] =	sst s25  }
0xa6: {  	s5 =	sshll.u32 s26, $0x1;
	_ =	strace $0x80000046;
	[dreg:$0x1] =	wrdreg $0xFFFFFFFF  }
0xa7: {  	s28 =	simm.s32 $_size_execute0_lowered;
	s3 =	sadd.s32 s3, s5;
	[dreg:$0x0] =	wrdreg $0x0  }
0xa8: {  	s5 =	sshll.u32 s28, $0x1;
	[dreg:$0x2] =	wrdreg s3  }
0xa9: {  	[dreg:$0x3] =	wrdreg s5  }
0xaa: {  	[dreg:$0x4] =	wrdreg $0xC0  }
0xab: {  	_ =	task [dreg:s7], $0x5FFFF  }
0xac: {  	[dreg:$0x1] =	wrdreg $0xFFFFFFFF  }
0xad: {  	[dreg:$0x0] =	wrdreg $0x60  }
0xae: {  	[dreg:$0x2] =	wrdreg s24  }
0xaf: {  	[dreg:$0x3] =	wrdreg s2  }
0xb0: {  	[dreg:$0x4] =	wrdreg $0x9  }
0xb1: {  	_ =	task.clear_ibuf [dreg:s7], $0x5FFFF;
	_ =	strace $0x90000046  }
0xb2: {  	s29 =	simm.s32 $0x9;
	_ =	strace $0x80000048  }
0xb3: {  	_ =	swait.ge [sflag:s29], $0x1  }
0xb4: {  	[sflag:s29] =	ssyncadd.s32 $0xFFFFFFFF  }
0xb5: {  	_ =	strace $0x90000048  }
0xb6: {  	_ =	sfence  }
0xb7: {  	s30 =	sld [smem:$0x0];
	_ =	sdelay $0x2  }
0xb8: {  	s31 =	sshll.u32 s1, $0xD;
	s1 =	sshrl.u32 s1, $0x2  }
0xb9: {  	s3 =	sand.u32 $0x4000, s31;
	s1 =	sadd.s32 s1, s30  }
0xba: {  	s0 =	sor.u32 s3, s0;
	s1 =	sshll.u32 s1, $0x11  }
0xbb: {  	s0 =	sor.u32 s1, s0  }
0xbc: {  	s0 =	sadd.s32 $0x8F2B, s0  }
0xbd: {  	[sflag:s0] =	ssyncadd.remote.s32 $0x1  }
0xbe: {  	_ =	sfence.sel $0xFFFF  }
0xbf: {  	[dreg:$0x0] =	wrdreg $0xFFFFFFFF;
	(pc) =	sbr.abs _section_cstart, $3  }
0xc0: {  	[dreg:$0x1] =	wrdreg $0xFFFFFFFF  }
0xc1: {  	_ =	task.clear_ibuf [dreg:s7], $0x2FFFF;
	_ =	strace $0x9FFFFFFF  }
0xc2: {  	(tm) =	ssettm $0x7FFFFFFF  }
0xc3: {  	_ =	shalt  }
tec
execute0_lowered:
.L_overlay_start_1:
0x0: {  	(tag) =	ssettag $0x1  }
0x1: {  	s0 =	srdreg.scid  }
0x2: {  	s10 =	stileid.u32;
	s3 =	rddreg [dreg:$0x0]  }
0x3: {  	s9 =	rddreg [dreg:$0x1];
	s2 =	simm.s32 $0x0;
	s12 =	simm.s32 $0x100  }
0x4: {  	s13 =	simm.s32 $0x6400;
	s14 =	simm.s32 $0xA400;
	s16 =	simm.s32 $0xE400  }
0x5: {  	s17 =	simm.s32 $0x12400;
	s18 =	simm.s32 $0x1;
	s4 =	smul.u32 $0xC800, s10  }
0x6: {  	s19 =	simm.s32 $0x16400;
	s20 =	simm.s32 $0x2;
	s8 =	smul.u32 $0x320000, s10  }
0x7: {  	s0 =	sand.u32 $0x1, s0;
	s1 =	sshll.u32 s10, $0x1;
	s10 =	smul.u32 $0x64000, s10  }
0x8: {  	s21 =	simm.s32 $0x3;
	s22 =	simm.s32 $0x4;
	s5 =	smul.u32 $0x6400, s0  }
0x9: {  	[smem:$0x7FF] =	sst s2;
	s1 =	sor.u32 s0, s1;
	s25 =	smul.u32 $0x190000, s0  }
0xa: {  	_ =	strace $0x80000047;
	s6 =	ssub.s32 $0x2, s0;
	s0 =	smul.u32 $0x32000, s0  }
0xb: {  	s1 =	smul.u32 $0xC80, s1;
	s7 =	sshrl.u32 s6, $0x1;
	s29 =	sadd.s32 s10, s9  }
0xc: {  	s4 =	sadd.s32 s5, s4;
	s23 =	ssub.s32 s6, s7;
	s28 =	sadd.s32 s25, s8  }
0xd: {  	s8 =	sadd.s32 s0, s29;
	s1 =	sadd.s32 s1, s3;
	s3 =	sadd.s32 $0xF42E00, s3  }
0xe: {  	s4 =	sshll.u32 s4, $0x3;
	s5 =	smax.u32 s23, $0x1;
	s30 =	sadd.s32 $0x10000, s28  }
0xf: {  	s1 =	sadd.s32 $0xA00, s1;
	s24 =	sadd.s32 s4, s9;
	[dreg:$0x4] =	wrdreg s5  }
0x10: {  	s23 =	simm.s32 $0x5;
	[dreg:$0x3] =	wrdreg s1;
	s1 =	sadd.s32 $0x800, s24  }
0x11: {  	s31 =	sshrl.u32 s30, $0x3;
	[dreg:$0x6] =	wrdreg s1;
	s1 =	sor.u32 $0xC000, s28  }
0x12: {  	s26 =	sadd.s32 $0x1000, s24;
	s4 =	sadd.s32 s31, s9;
	s1 =	sshrl.u32 s1, $0x3  }
0x13: {  	[dreg:$0x5] =	wrdreg s26;
	s26 =	simm.s32 $0x0;
	s10 =	sadd.s32 s1, s9  }
.LBB2_1:
0x14: {  	s0 =	rddreg [dreg:$0x3];
	s15 =	simm.s32 $0xB  }
0x15: {  	[tilespmem:s2], [sflag:$0xB] =	stream.linear.gather [hbm4b:s0+s2], $0x6400, $0x38;
	[tilespmem:$0x1A400] =	vst v63  }
0x16: {  	_ =	swait.ge [sflag:s15], $0x6400  }
0x17: {  	[sflag:s15] =	ssyncset.done $0x0  }
0x18: {  	[sflag:s15] =	ssyncadd.s32 $0xFFFF9C00  }
0x19: {  	[tilespmem:s13], [sflag:$0x1] =	stream.indirect.gather [hbm4b:s3+s12], $0x40, s2, s12, $0xb8;
	[tilespmem:$0x1A400] =	vst v63  }
0x1a: {  	p0 =	por $0x1, $0x1  }
0x1b: {  	[tilespmem:s14], [sflag:$0x2] =	stream.indirect.gather [hbm4b:s3+s12], $0x40, s12, s12, $0xb8;
	[tilespmem:$0x1A400] =	vst v63  }
0x1c: {  	s24 =	simm.s32 $0x200;
	s0 =	simm.s32 @!p0 $0x9  }
0x1d: {  	[tilespmem:s16], [sflag:$0x3] =	stream.indirect.gather [hbm4b:s3+s12], $0x40, s24, s12, $0xb8;
	[tilespmem:$0x1A400] =	vst v63  }
0x1e: {  	_ =	swait.ge @!p0 [sflag:s0], $0x4000  }
0x1f: {  	[sflag:s0] =	ssyncset.done @!p0 $0x0  }
0x20: {  	s1 =	simm.s32 $0x300;
	[sflag:s0] =	ssyncadd.s32 @!p0 $0xFFFFC000  }
0x21: {  	[tilespmem:s17], [sflag:$0x4] =	stream.indirect.gather [hbm4b:s3+s12], $0x40, s1, s12, $0xb8;
	[tilespmem:$0x1A400] =	vst v63  }
0x22: {  	_ =	swait.ge [sflag:s18], $0x4000  }
0x23: {  	[sflag:s18] =	ssyncset.done $0x0  }
0x24: {  	s0 =	simm.s32 @!p0 $0xA;
	[sflag:s18] =	ssyncadd.s32 $0xFFFFC000  }
0x25: {  	[hbm4b:s8+s2] =	stream.linear.scatter [tilespmem:s13], [sflag:$0x6], $0x4000, $0x38;
	[tilespmem:$0x1A400] =	vst v63  }
0x26: {  	_ =	swait.ge @!p0 [sflag:s0], $0x4000  }
0x27: {  	[sflag:s0] =	ssyncset.done @!p0 $0x0  }
0x28: {  	s25 =	simm.s32 $0x400;
	[sflag:s0] =	ssyncadd.s32 @!p0 $0xFFFFC000  }
0x29: {  	[tilespmem:s19], [sflag:$0x5] =	stream.indirect.gather [hbm4b:s3+s12], $0x40, s25, s12, $0xb8;
	[tilespmem:$0x1A400] =	vst v63  }
0x2a: {  	_ =	swait.ge [sflag:s20], $0x4000  }
0x2b: {  	p0 =	por $0x0, $0x0;
	[sflag:s20] =	ssyncset.done $0x0  }
0x2c: {  	s0 =	simm.s32 @!p0 $0x6;
	s6 =	rddreg [dreg:$0x6];
	[sflag:s20] =	ssyncadd.s32 $0xFFFFC000  }
0x2d: {  	[hbm4b:s6+s2] =	stream.linear.scatter [tilespmem:s14], [sflag:$0x7], $0x4000, $0x38;
	[tilespmem:$0x1A400] =	vst v63  }
0x2e: {  	_ =	swait.ge @!p0 [sflag:s0], $0x4000  }
0x2f: {  	s1 =	simm.s32 @!p0 $0x500;
	[sflag:s0] =	ssyncset.done @!p0 $0x0  }
0x30: {  	s9 =	simm.s32 @!p0 $0x100;
	s15 =	simm.s32 @!p0 $0x6400;
	[sflag:s0] =	ssyncadd.s32 @!p0 $0xFFFFC000  }
0x31: {  	[tilespmem:s15], [sflag:$0x1] =	stream.indirect.gather @!p0 [hbm4b:s3+s9], $0x40, s1, s9, $0xb8;
	[tilespmem:$0x1A400] =	vst v63  }
0x32: {  	_ =	swait.ge [sflag:s21], $0x4000  }
0x33: {  	[sflag:s21] =	ssyncset.done $0x0  }
0x34: {  	s0 =	simm.s32 @!p0 $0x7;
	s5 =	rddreg [dreg:$0x5];
	[sflag:s21] =	ssyncadd.s32 $0xFFFFC000  }
0x35: {  	[hbm4b:s5+s2] =	stream.linear.scatter [tilespmem:s16], [sflag:$0x8], $0x4000, $0x38;
	[tilespmem:$0x1A400] =	vst v63  }
0x36: {  	_ =	swait.ge @!p0 [sflag:s0], $0x4000  }
0x37: {  	[sflag:s0] =	ssyncset.done @!p0 $0x0  }
0x38: {  	s1 =	simm.s32 @!p0 $0x600;
	s15 =	simm.s32 @!p0 $0xA400;
	[sflag:s0] =	ssyncadd.s32 @!p0 $0xFFFFC000  }
0x39: {  	[tilespmem:s15], [sflag:$0x2] =	stream.indirect.gather @!p0 [hbm4b:s3+s9], $0x40, s1, s9, $0xb8;
	[tilespmem:$0x1A400] =	vst v63  }
0x3a: {  	_ =	swait.ge [sflag:s22], $0x4000  }
0x3b: {  	[sflag:s22] =	ssyncset.done $0x0  }
0x3c: {  	s0 =	simm.s32 @!p0 $0x8;
	[sflag:s22] =	ssyncadd.s32 $0xFFFFC000  }
0x3d: {  	[hbm4b:s10+s2] =	stream.linear.scatter [tilespmem:s17], [sflag:$0x9], $0x4000, $0x38;
	[tilespmem:$0x1A400] =	vst v63  }
0x3e: {  	s29 =	sadd.s32 $0x2800, s10;
	p1 =	por $0x0, $0x0;
	_ =	swait.ge @!p0 [sflag:s0], $0x4000  }
0x3f: {  	s28 =	simm.s32 @!p0 $0x700;
	s30 =	simm.s32 @!p0 $0xE400;
	[sflag:s0] =	ssyncset.done @!p0 $0x0  }
0x40: {  	s31 =	sadd.s32 $0x2800, s6;
	s1 =	simm.s32 $0x1400;
	[sflag:s0] =	ssyncadd.s32 @!p0 $0xFFFFC000  }
0x41: {  	[tilespmem:s30], [sflag:$0x3] =	stream.indirect.gather @!p0 [hbm4b:s3+s9], $0x40, s28, s9, $0xb8;
	[tilespmem:$0x1A400] =	vst v63  }
0x42: {  	s15 =	simm.s32 $0x2800;
	s0 =	sadd.s32 $0x2800, s8;
	s28 =	sadd.s32 $0x2800, s4  }
0x43: {  	s30 =	sadd.s32 $0x2800, s5;
	s9 =	smov.u32 s4;
	_ =	swait.ge [sflag:s23], $0x4000  }
.LBB2_2:
0x44: {  	s5 =	simm.s32 @!p1 $0x9  }
0x45: {  	[sflag:s23] =	ssyncset.done $0x0;
	s11 =	smov.u32 s15;
	s15 =	sadd.s32 $0x1400, s15  }
0x46: {  	p0 =	sne.s32 s15, $0x19000;
	[sflag:s23] =	ssyncadd.s32 $0xFFFFC000  }
0x47: {  	[hbm4b:s9+s2] =	stream.linear.scatter [tilespmem:s19], [sflag:$0xA], $0x4000, $0x38;
	[tilespmem:$0x1A400] =	vst v63  }
0x48: {  	s24 =	sshra.s32 s1, $0x2;
	s9 =	smov.u32 s28;
	_ =	swait.ge @!p1 [sflag:s5], $0x4000  }
0x49: {  	s25 =	sadd.s32 $0x300, s24;
	[sflag:s5] =	ssyncset.done @!p1 $0x0  }
0x4a: {  	[sflag:s5] =	ssyncadd.s32 @!p1 $0xFFFFC000  }
0x4b: {  	[tilespmem:s17], [sflag:$0x4] =	stream.indirect.gather [hbm4b:s3+s12], $0x40, s25, s12, $0xb8;
	[tilespmem:$0x1A400] =	vst v63  }
0x4c: {  	_ =	swait.ge [sflag:s18], $0x4000  }
0x4d: {  	s5 =	simm.s32 @!p1 $0xA;
	[sflag:s18] =	ssyncset.done $0x0  }
0x4e: {  	[sflag:s18] =	ssyncadd.s32 $0xFFFFC000  }
0x4f: {  	[hbm4b:s0+s2] =	stream.linear.scatter [tilespmem:s13], [sflag:$0x6], $0x4000, $0x38;
	[tilespmem:$0x1A400] =	vst v63  }
0x50: {  	_ =	swait.ge @!p1 [sflag:s5], $0x4000  }
0x51: {  	s24 =	sadd.s32 $0x400, s24;
	[sflag:s5] =	ssyncset.done @!p1 $0x0  }
0x52: {  	[sflag:s5] =	ssyncadd.s32 @!p1 $0xFFFFC000  }
0x53: {  	[tilespmem:s19], [sflag:$0x5] =	stream.indirect.gather [hbm4b:s3+s12], $0x40, s24, s12, $0xb8;
	[tilespmem:$0x1A400] =	vst v63  }
0x54: {  	_ =	swait.ge [sflag:s20], $0x4000  }
0x55: {  	p1 =	seq.s32 s1, $0x17C00;
	[sflag:s20] =	ssyncset.done $0x0  }
0x56: {  	s5 =	simm.s32 @!p1 $0x6;
	s1 =	sshra.s32 @!p1 s1, $0x2;
	[sflag:s20] =	ssyncadd.s32 $0xFFFFC000  }
0x57: {  	[hbm4b:s31+s2] =	stream.linear.scatter [tilespmem:s14], [sflag:$0x7], $0x4000, $0x38;
	[tilespmem:$0x1A400] =	vst v63  }
0x58: {  	s24 =	sadd.s32 @!p1 $0x500, s1;
	s25 =	sadd.s32 @!p1 $0x600, s1;
	_ =	swait.ge @!p1 [sflag:s5], $0x4000  }
0x59: {  	s6 =	simm.s32 @!p1 $0x100;
	s7 =	simm.s32 @!p1 $0x6400;
	[sflag:s5] =	ssyncset.done @!p1 $0x0  }
0x5a: {  	[sflag:s5] =	ssyncadd.s32 @!p1 $0xFFFFC000;
	s5 =	sadd.s32 @!p1 $0x700, s1;
	s1 =	smov.u32 s11  }
0x5b: {  	[tilespmem:s7], [sflag:$0x1] =	stream.indirect.gather @!p1 [hbm4b:s3+s6], $0x40, s24, s6, $0xb8;
	[tilespmem:$0x1A400] =	vst v63  }
0x5c: {  	_ =	swait.ge [sflag:s21], $0x4000  }
0x5d: {  	[sflag:s21] =	ssyncset.done $0x0  }
0x5e: {  	s7 =	simm.s32 @!p1 $0x7;
	[sflag:s21] =	ssyncadd.s32 $0xFFFFC000  }
0x5f: {  	[hbm4b:s30+s2] =	stream.linear.scatter [tilespmem:s16], [sflag:$0x8], $0x4000, $0x38;
	[tilespmem:$0x1A400] =	vst v63  }
0x60: {  	_ =	swait.ge @!p1 [sflag:s7], $0x4000  }
0x61: {  	s11 =	simm.s32 @!p1 $0xA400;
	[sflag:s7] =	ssyncset.done @!p1 $0x0  }
0x62: {  	[sflag:s7] =	ssyncadd.s32 @!p1 $0xFFFFC000  }
0x63: {  	[tilespmem:s11], [sflag:$0x2] =	stream.indirect.gather @!p1 [hbm4b:s3+s6], $0x40, s25, s6, $0xb8;
	[tilespmem:$0x1A400] =	vst v63  }
0x64: {  	_ =	swait.ge [sflag:s22], $0x4000  }
0x65: {  	[sflag:s22] =	ssyncset.done $0x0  }
0x66: {  	s7 =	simm.s32 @!p1 $0x8;
	[sflag:s22] =	ssyncadd.s32 $0xFFFFC000  }
0x67: {  	[hbm4b:s29+s2] =	stream.linear.scatter [tilespmem:s17], [sflag:$0x9], $0x4000, $0x38;
	[tilespmem:$0x1A400] =	vst v63  }
.Ltmp0:
0x68: {  	s29 =	sadd.s32 $0x2800, s29;
	_ =	swait.ge @!p1 [sflag:s7], $0x4000;
	(pc) =	sbr.rel @p0 .LBB2_2-.Ltmp0, $4  }
0x69: {  	s28 =	sadd.s32 $0x2800, s28;
	s11 =	simm.s32 @!p1 $0xE400;
	[sflag:s7] =	ssyncset.done @!p1 $0x0  }
0x6a: {  	s0 =	sadd.s32 $0x2800, s0;
	s31 =	sadd.s32 $0x2800, s31;
	[sflag:s7] =	ssyncadd.s32 @!p1 $0xFFFFC000  }
0x6b: {  	[tilespmem:s11], [sflag:$0x3] =	stream.indirect.gather @!p1 [hbm4b:s3+s6], $0x40, s5, s6, $0xb8;
	[tilespmem:$0x1A400] =	vst v63  }
0x6c: {  	s30 =	sadd.s32 $0x2800, s30;
	p1 =	seq.s32 s1, $0x0;
	_ =	swait.ge [sflag:s23], $0x4000  }
0x6d: {  	[sflag:s23] =	ssyncset.done $0x0  }
0x6e: {  	s5 =	simm.s32 @!p1 $0x9;
	[sflag:s23] =	ssyncadd.s32 $0xFFFFC000  }
0x6f: {  	[hbm4b:s9+s2] =	stream.linear.scatter [tilespmem:s19], [sflag:$0xA], $0x4000, $0x38;
	[tilespmem:$0x1A400] =	vst v63  }
0x70: {  	_ =	swait.ge @!p1 [sflag:s5], $0x4000  }
0x71: {  	s6 =	sshra.s32 s1, $0x2;
	[sflag:s5] =	ssyncset.done @!p1 $0x0  }
0x72: {  	s7 =	sadd.s32 $0x300, s6;
	[sflag:s5] =	ssyncadd.s32 @!p1 $0xFFFFC000  }
0x73: {  	[tilespmem:s17], [sflag:$0x4] =	stream.indirect.gather [hbm4b:s3+s12], $0x40, s7, s12, $0xb8;
	[tilespmem:$0x1A400] =	vst v63  }
0x74: {  	_ =	swait.ge [sflag:s18], $0x4000  }
0x75: {  	[sflag:s18] =	ssyncset.done $0x0  }
0x76: {  	s5 =	simm.s32 @!p1 $0xA;
	[sflag:s18] =	ssyncadd.s32 $0xFFFFC000  }
0x77: {  	[hbm4b:s0+s2] =	stream.linear.scatter [tilespmem:s13], [sflag:$0x6], $0x4000, $0x38;
	[tilespmem:$0x1A400] =	vst v63  }
0x78: {  	_ =	swait.ge @!p1 [sflag:s5], $0x4000  }
0x79: {  	[sflag:s5] =	ssyncset.done @!p1 $0x0  }
0x7a: {  	s25 =	sadd.s32 $0x400, s6;
	[sflag:s5] =	ssyncadd.s32 @!p1 $0xFFFFC000  }
0x7b: {  	[tilespmem:s19], [sflag:$0x5] =	stream.indirect.gather [hbm4b:s3+s12], $0x40, s25, s12, $0xb8;
	[tilespmem:$0x1A400] =	vst v63  }
0x7c: {  	_ =	swait.ge [sflag:s20], $0x4000  }
0x7d: {  	p0 =	seq.s32 s1, $0x17C00;
	[sflag:s20] =	ssyncset.done $0x0  }
0x7e: {  	s0 =	simm.s32 @!p0 $0x6;
	[sflag:s20] =	ssyncadd.s32 $0xFFFFC000  }
0x7f: {  	[hbm4b:s31+s2] =	stream.linear.scatter [tilespmem:s14], [sflag:$0x7], $0x4000, $0x38;
	[tilespmem:$0x1A400] =	vst v63  }
0x80: {  	_ =	swait.ge @!p0 [sflag:s0], $0x4000  }
0x81: {  	s1 =	sshra.s32 @!p0 s1, $0x2;
	s6 =	simm.s32 @!p0 $0x100;
	[sflag:s0] =	ssyncset.done @!p0 $0x0  }
0x82: {  	s7 =	simm.s32 @!p0 $0x6400;
	s5 =	sadd.s32 @!p0 $0x500, s1;
	[sflag:s0] =	ssyncadd.s32 @!p0 $0xFFFFC000  }
0x83: {  	[tilespmem:s7], [sflag:$0x1] =	stream.indirect.gather @!p0 [hbm4b:s3+s6], $0x40, s5, s6, $0xb8;
	[tilespmem:$0x1A400] =	vst v63  }
0x84: {  	_ =	swait.ge [sflag:s21], $0x4000  }
0x85: {  	[sflag:s21] =	ssyncset.done $0x0  }
0x86: {  	s0 =	simm.s32 @!p0 $0x7;
	[sflag:s21] =	ssyncadd.s32 $0xFFFFC000  }
0x87: {  	[hbm4b:s30+s2] =	stream.linear.scatter [tilespmem:s16], [sflag:$0x8], $0x4000, $0x38;
	[tilespmem:$0x1A400] =	vst v63  }
0x88: {  	_ =	swait.ge @!p0 [sflag:s0], $0x4000  }
0x89: {  	[sflag:s0] =	ssyncset.done @!p0 $0x0  }
0x8a: {  	s5 =	sadd.s32 @!p0 $0x600, s1;
	s7 =	simm.s32 @!p0 $0xA400;
	[sflag:s0] =	ssyncadd.s32 @!p0 $0xFFFFC000  }
0x8b: {  	[tilespmem:s7], [sflag:$0x2] =	stream.indirect.gather @!p0 [hbm4b:s3+s6], $0x40, s5, s6, $0xb8;
	[tilespmem:$0x1A400] =	vst v63  }
0x8c: {  	_ =	swait.ge [sflag:s22], $0x4000  }
0x8d: {  	[sflag:s22] =	ssyncset.done $0x0  }
0x8e: {  	s0 =	simm.s32 @!p0 $0x8;
	[sflag:s22] =	ssyncadd.s32 $0xFFFFC000  }
0x8f: {  	[hbm4b:s29+s2] =	stream.linear.scatter [tilespmem:s17], [sflag:$0x9], $0x4000, $0x38;
	[tilespmem:$0x1A400] =	vst v63  }
0x90: {  	_ =	swait.ge @!p0 [sflag:s0], $0x4000  }
0x91: {  	[sflag:s0] =	ssyncset.done @!p0 $0x0  }
0x92: {  	s1 =	sadd.s32 @!p0 $0x700, s1;
	s5 =	simm.s32 @!p0 $0xE400;
	[sflag:s0] =	ssyncadd.s32 @!p0 $0xFFFFC000  }
0x93: {  	[tilespmem:s5], [sflag:$0x3] =	stream.indirect.gather @!p0 [hbm4b:s3+s6], $0x40, s1, s6, $0xb8;
	[tilespmem:$0x1A400] =	vst v63  }
0x94: {  	_ =	swait.ge [sflag:s23], $0x4000  }
0x95: {  	[sflag:s23] =	ssyncset.done $0x0  }
0x96: {  	s29 =	simm.s32 $0x9;
	[sflag:s23] =	ssyncadd.s32 $0xFFFFC000  }
0x97: {  	[hbm4b:s28+s2] =	stream.linear.scatter [tilespmem:s19], [sflag:$0xA], $0x4000, $0x38;
	[tilespmem:$0x1A400] =	vst v63  }
0x98: {  	_ =	swait.ge [sflag:s29], $0x4000  }
0x99: {  	[sflag:s29] =	ssyncset.done $0x0  }
0x9a: {  	s30 =	simm.s32 $0xA;
	[sflag:s29] =	ssyncadd.s32 $0xFFFFC000  }
0x9b: {  	_ =	swait.ge [sflag:s30], $0x4000  }
0x9c: {  	s26 =	sadd.s32 $0x1, s26;
	s31 =	rddreg [dreg:$0x4]  }
0x9d: {  	p0 =	sne.s32 s26, s31  }
.Ltmp1:
0x9e: {  	_ = 	snop;
	(pc) =	sbr.rel @p0 .LBB2_1-.Ltmp1, $3  }
0x9f: {  	_ =	sdelay $0x1  }
0xa0: {  	[sflag:s30] =	ssyncset.done $0x0  }
0xa1: {  	[sflag:s30] =	ssyncadd.s32 $0xFFFFC000  }
0xa2: {  	_ =	sfence.sel $0x180000  }
0xa3: {  	[bflag:$0x0] =	sbarrier.arrive $0xFFFF  }
0xa4: {  	_ =	strace $0x90000047  }
0xa5: {  	s0 =	stileid.u32;
	[bflag:$0x2] =	sbarrier.arrive $0xFFFF  }
0xa6: {  	p0 =	sne.s32 s0, $0x0;
	s0 =	rddreg [dreg:$0x2]  }
0xa7: {  	s0 =	sadd.s32 @!p0 $0x100000, s0  }
0xa8: {  	[sflag:s0] =	ssyncadd.tile.s32 @!p0 $0x1;
	_ =	shalt  }
.Lfunc_end2:
_tile_overlayer_lowered:
.L_overlay_start_2:
0xa9: {  	(tag) =	ssettag $0x2  }
0xaa: {  	s0 =	rddreg [dreg:$0x0];
	s2 =	stileid.u32  }
0xab: {  	s1 =	rddreg [dreg:$0x1];
	p0 =	sne.s32 s2, $0x0  }
0xac: {  	s3 =	rddreg [dreg:$0x2];
	[bflag:$0x3] =	sbarrier.arrive $0xFFFF;
	s2 =	simm.s32 @!p0 $0x1C0B  }
0xad: {  	[timem:s3], [sflag:s2] =	dma.local @!p0 [hbm:s0], s1  }
0xae: {  	s0 =	simm.s32 @!p0 $0xB  }
0xaf: {  	_ =	swait.ge @!p0 [sflag:s0], s1  }
0xb0: {  	s1 =	ssub.s32 @!p0 $0x0, s1;
	[sflag:s0] =	ssyncset.done @!p0 $0x0  }
0xb1: {  	[sflag:s0] =	ssyncadd.s32 @!p0 s1  }
0xb2: {  	[bflag:$0x3] =	sbarrier.arrive $0xFFFF  }
0xb3: {  	_ =	shalt  }

// kernel: sparse-core-data-format-call.cloned.1.call-start
scs
called_computation_lowered:
.L_overlay_start_0:
0x0: {  	s2 =	sld [smem:$0x3FD9]  }
0x1: {  	s3 =	sld [smem:$0x3FFE];
	_ =	sdelay $0x1  }
0x2: {  	s1 =	srdreg.scid  }
0x3: {  	s0 =	sand.u32 $0x1, s1  }
0x4: {  	s18 =	sshll.u32 s0, $0xA;
	s2 =	sadd.s32 s3, s2  }
0x5: {  	s2 =	sadd.s32 s2, s18  }
0x6: {  	[smem:$0x3FC6] =	sst s2  }
0x7: {  	_ = 	snop  }
0x8: {  	s2 =	sld [smem:$0x3FD0];
	(tm) =	ssettm $0x1  }
0x9: {  	s19 =	sld [smem:$0x3FFB];
	_ =	sdelay $0x3  }
0xa: {  	_ =	strace s19  }
0xb: {  	s3 =	sld [smem:$0x3FFC];
	_ =	sdelay $0x3  }
0xc: {  	_ =	strace s3  }
0xd: {  	s3 =	sld [smem:$0x3FFD];
	_ =	sdelay $0x3  }
0xe: {  	_ =	strace s3  }
0xf: {  	_ =	strace $0x8FFFFFFF  }
0x10: {  	s20 =	sld [smem:$0x3FDB];
	_ =	sdelay $0x1  }
0x11: {  	s4 =	simm.s32 $_scs_section_size  }
0x12: {  	s5 =	simm.s32 $_size__tile_overlayer_lowered;
	s6 =	simm.s32 $_tile_overlayer_lowered  }
0x13: {  	s23 =	simm.s32 $0x1BFF;
	s22 =	sshll.u32 s6, $0x1;
	s3 =	sadd.s32 s4, s20  }
0x14: {  	s7 =	simm.s32 $0x0;
	s21 =	sshll.u32 s5, $0x1;
	s5 =	sadd.s32 s22, s3  }
0x15: {  	[timem:s7], [sflag:s23] =	dma.local [hbm:s5], s21  }
0x16: {  	_ =	swait.ge [sflag:s23], s21  }
0x17: {  	s4 =	ssub.s32 $0x0, s21;
	[sflag:s23] =	ssyncset.done $0x0  }
0x18: {  	[sflag:s23] =	ssyncadd.s32 s4;
	_ =	sdelay $0x1  }
0x19: {  	s24 =	simm.s32 $0x1B8B  }
0x1a: {  	_ =	swait.ge [sflag:s24], $0x1  }
0x1b: {  	[sflag:s24] =	ssyncset.done $0x0  }
0x1c: {  	s26 =	simm.s32 $0x1B8E;
	s25 =	sld [smem:$0x3FFE];
	[sflag:s24] =	ssyncadd.s32 $0xFFFFFFFF  }
0x1d: {  	s27 =	simm.s32 $execute0_lowered;
	[smem:$0x3FD2] =	sst s26  }
0x1e: {  	s5 =	sshll.u32 s27, $0x1;
	_ =	strace $0x80000049;
	[dreg:$0x1] =	wrdreg $0xFFFFFFFF  }
0x1f: {  	s28 =	simm.s32 $_size_execute0_lowered;
	s3 =	sadd.s32 s3, s5;
	[dreg:$0x0] =	wrdreg $0x0  }
0x20: {  	s5 =	sshll.u32 s28, $0x1;
	[dreg:$0x2] =	wrdreg s3  }
0x21: {  	[dreg:$0x3] =	wrdreg s5  }
0x22: {  	[dreg:$0x4] =	wrdreg $0xC0  }
0x23: {  	_ =	task [dreg:s7], $0x5FFFF  }
0x24: {  	[dreg:$0x1] =	wrdreg $0xFFFFFFFF  }
0x25: {  	[dreg:$0x0] =	wrdreg $0x60  }
0x26: {  	[dreg:$0x2] =	wrdreg s25  }
0x27: {  	[dreg:$0x3] =	wrdreg s2  }
0x28: {  	[dreg:$0x4] =	wrdreg $0x9  }
0x29: {  	_ =	task.clear_ibuf [dreg:s7], $0x5FFFF;
	_ =	strace $0x90000049  }
0x2a: {  	s29 =	simm.s32 $0x9;
	_ =	strace $0x8000004B  }
0x2b: {  	_ =	swait.ge [sflag:s29], $0x1  }
0x2c: {  	[sflag:s29] =	ssyncadd.s32 $0xFFFFFFFF  }
0x2d: {  	_ =	strace $0x9000004B  }
0x2e: {  	_ =	sfence  }
0x2f: {  	s30 =	sld [smem:$0x0];
	_ =	sdelay $0x2  }
0x30: {  	s31 =	sshll.u32 s1, $0xD;
	s1 =	sshrl.u32 s1, $0x2  }
0x31: {  	s3 =	sand.u32 $0x4000, s31;
	s1 =	sadd.s32 s1, s30  }
0x32: {  	s0 =	sor.u32 s3, s0;
	s1 =	sshll.u32 s1, $0x11  }
0x33: {  	s0 =	sor.u32 s1, s0  }
0x34: {  	s0 =	sadd.s32 $0x8F2B, s0  }
0x35: {  	[sflag:s0] =	ssyncadd.remote.s32 $0x1  }
0x36: {  	_ =	sfence.sel $0xFFFF  }
0x37: {  	[dreg:$0x0] =	wrdreg $0xFFFFFFFF;
	(pc) =	sbr.abs _section_cstart, $3  }
0x38: {  	[dreg:$0x1] =	wrdreg $0xFFFFFFFF  }
0x39: {  	_ =	task.clear_ibuf [dreg:s7], $0x2FFFF;
	_ =	strace $0x9FFFFFFF  }
0x3a: {  	(tm) =	ssettm $0x7FFFFFFF  }
0x3b: {  	_ =	shalt  }
tec
execute0_lowered:
.L_overlay_start_1:
0x0: {  	(tag) =	ssettag $0x1  }
0x1: {  	s0 =	srdreg.scid  }
0x2: {  	s1 =	sshll.u32 s0, $0x4  }
0x3: {  	s4 =	rddreg [dreg:$0x0];
	s0 =	stileid.u32;
	s1 =	sand.u32 $0x10, s1  }
0x4: {  	s2 =	rddreg [dreg:$0x1];
	s7 =	simm.s32 $0x1;
	s1 =	sor.u32 s0, s1  }
0x5: {  	s8 =	simm.s32 $0x2;
	s11 =	simm.s32 $0x0;
	s3 =	sshll.u32 s1, $0x7  }
0x6: {  	s10 =	simm.s32 $0x0;
	s4 =	sadd.s32 $0xA00, s4;
	s6 =	ssub.s32 $0xC8000, s3  }
.Ltmp0:
0x7: {  	s1 =	rddreg [dreg:$0x2];
	s5 =	sand.u32 $0xF80, s6;
	(pc) =	sbr.rel .LBB1_1-.Ltmp0, $4  }
0x8: {  	_ =	strace $0x8000004A;
	s9 =	smov.u32 s3;
	p0 =	sne.s32 s5, $0x0  }
0x9: {  	s6 =	sshrl.u32 s6, $0xC;
	s5 =	simm.s32 $0x1;
	s7 =	simm.s32 @!p0 $0x0  }
0xa: {  	[sflag:s5] =	ssyncpa.u1 $0x0;
	p0 =	por $0x0, $0x0;
	s6 =	sadd.s32 s7, s6  }
0xb: {  	[sflag:s8] =	ssyncpa.u1 $0x0;
	s8 =	simm.s32 $0x640000;
	s7 =	sadd.s32 $0x1, s6  }
.LBB1_4:
0xc: {  	s14 =	sshll.u32 s11, $0x3  }
0xd: {  	s30 =	sand.u32 $0x7F, s11;
	s15 =	sand.u32 $0xFFFFFC00, s14  }
0xe: {  	s11 =	sor.u32 s30, s15  }
0xf: {  	s15 =	smulhi.u32 $0x51EB851F, s11  }
0x10: {  	s14 =	smulhi.u32 $0x51EB851F, s14  }
0x11: {  	s15 =	sshrl.u32 s15, $0x12  }
0x12: {  	s14 =	sshrl.u32 s14, $0x12;
	s15 =	smul.u32 $0xC8000, s15  }
0x13: {  	s14 =	sand.u32 $0x3F, s14  }
0x14: {  	s14 =	smul.u32 $0x19000, s14;
	s11 =	ssub.s32 s11, s15  }
0x15: {  	[tilespmem:s13+$0x810 ss:$0x81] =	vst.msk $0xffff, v2;
	s15 =	sand.u32 $0x7, s11  }
0x16: {  	[tilespmem:s13+$0x1020 ss:$0x81] =	vst.msk $0xffff, v0;
	s14 =	sadd.s32 s2, s14;
	s11 =	sshrl.u32 s11, $0x3;
	s15 =	sshll.u32 s15, $0x12  }
0x17: {  	[tilespmem:s13+$0x0 ss:$0x81] =	vst.msk $0xffff, v1;
	s11 =	sadd.s32 s11, s14;
	s31 =	sor.u32 $0x400, s15  }
0x18: {  	[hbm4b:s11+s31] =	stream.strided.scatter [tilespmem:s12], [sflag:$0x2], $0x2000, s8, s31, $0x20;
	[tilespmem:$0x8080] =	vst v63  }
.LBB1_5:
0x19: {  	s13 =	sadd.s32 $0x1000, s9  }
0x1a: {  	p2 =	sgt.s32 s13, $0xC7FFF  }
0x1b: {  	s13 =	smov.u32 @p2 s3;
	p2 =	sne.s32 s10, s7  }
.Ltmp1:
0x1c: {  	p1 =	slt.u32 s10, $0x2;
	(pc) =	sbr.rel @!p2 .LBB1_6-.Ltmp1, $4  }
0x1d: {  	s12 =	simm.s32 @!p1 $0x2  }
0x1e: {  	s14 =	sadd.s32 $0x1, s10;
	_ =	swait.ge @!p1 [sflag:s12], $0x2000  }
0x1f: {  	s11 =	smov.u32 s9;
	p0 =	por !p0, !p0;
	[sflag:s12] =	ssyncset.done @!p1 $0x0  }
0x20: {  	s10 =	smov.u32 s14;
	s9 =	smov.u32 s13;
	[sflag:s12] =	ssyncadd.s32 @!p1 $0xFFFFE000  }
.LBB1_1:
0x21: {  	p1 =	sge.u32 s10, s6  }
0x22: {  	s12 =	sand.u32 @!p1 $0x1FFFFFF, s9  }
0x23: {  	s13 =	smulhi.u32 @!p1 $0x147AE15, s12;
	_ =	sdelay $0x1  }
0x24: {  	s13 =	sshrl.u32 @!p1 s13, $0xC  }
0x25: {  	s13 =	smul.u32 @!p1 $0xC8000, s13;
	_ =	sdelay $0x1  }
0x26: {  	s31 =	sadd.s32 $0xFFFFFFFF, s10;
	s14 =	sxor.u32 @!p1 $0xFFFFFFFF, s10;
	s12 =	ssub.s32 @!p1 s12, s13  }
0x27: {  	s15 =	simm.s32 @!p1 $0x80;
	s14 =	sshll.u32 @!p1 s14, $0xD;
	s12 =	sshll.u32 @!p1 s12, $0x4  }
0x28: {  	s13 =	sand.u32 @!p1 $0x2000, s14;
	s14 =	simm.s32 @!p1 $0x40;
	s12 =	sadd.s32 @!p1 s4, s12  }
0x29: {  	[tilespmem:s13], [sflag:$0x1] =	stream.strided.gather @!p1 [hbm4b:s12+s14], $0x2000, s15, s14, $0x38;
	[tilespmem:$0x8080] =	vst v63  }
0x2a: {  	p1 =	sge.u32 s31, s6  }
.Ltmp2:
0x2b: {  	_ = 	snop;
	(pc) =	sbr.rel @p1 .LBB1_5-.Ltmp2, $1  }
0x2c: {  	_ =	sdelay $0x3  }
0x2d: {  	s12 =	simm.s32 $0x1  }
0x2e: {  	_ =	swait.ge [sflag:s5], $0x2000;
	s12 =	simm.s32 @!p0 $0x0  }
0x2f: {  	[sflag:s5] =	ssyncset.done $0x0;
	s13 =	sshll.u32 s12, $0xD  }
0x30: {  	[sflag:s5] =	ssyncadd.s32 $0xFFFFE000;
	s16 =	sor.u32 $0x20, s13  }
0x31: {  	s12 =	smul.u32 $0x8100, s12;
	v3 =	vld [tilespmem:s16+$0x10]  }
0x32: {  	s30 =	sand.u32 $0x1, s10;
	v2 =	vld [tilespmem:s16+$0xFFFFFFF0]  }
0x33: {  	s13 =	smul.u32 $0x8100, s30;
	s12 =	sshrl.u32 s12, $0x2;
	v0 =	vld [tilespmem:s16+$0x0]  }
0x34: {  	v1 =	vld [tilespmem:s16+$0xFFFFFFE0];
	s14 =	sor.u32 $0x4000, s12  }
0x35: {  	s31 =	sshrl.u32 s13, $0x2;
	s13 =	sadd.s32 $0x0, s14  }
0x36: {  	s15 =	simm.s32 $0x4;
	s16 =	sadd.s32 $0x40, s16;
	s12 =	sor.u32 $0x4000, s31;
	[tilespmem:s13+$0x1830 ss:$0x81] =	vst.msk $0xffff, v3  }
.LBB1_3:
0x37: {  	v3 =	vld [tilespmem:s16+$0x10];
	p1 =	sne.s32 s15, $0x1FC;
	[tilespmem:s13+$0x810 ss:$0x81] =	vst.msk $0xffff, v2;
	s17 =	smov.u32 s15;
	s15 =	sadd.s32 $0x4, s15  }
.Ltmp3:
0x38: {  	v2 =	vld [tilespmem:s16+$0xFFFFFFF0];
	[tilespmem:s13+$0x1020 ss:$0x81] =	vst.msk $0xffff, v0;
	(pc) =	sbr.rel @p1 .LBB1_3-.Ltmp3, $4  }
0x39: {  	v0 =	vld [tilespmem:s16+$0x0];
	[tilespmem:s13+$0x0 ss:$0x81] =	vst.msk $0xffff, v1  }
0x3a: {  	s13 =	sshra.s32 s17, $0x2;
	v1 =	vld [tilespmem:s16+$0xFFFFFFE0]  }
0x3b: {  	s13 =	sadd.s32 s13, s14  }
0x3c: {  	s16 =	sadd.s32 $0x40, s16;
	[tilespmem:s13+$0x1830 ss:$0x81] =	vst.msk $0xffff, v3  }
.Ltmp4:
0x3d: {  	_ = 	snop;
	(pc) =	sbr.rel .LBB1_4-.Ltmp4, $1  }
0x3e: {  	_ =	sdelay $0x3  }
.LBB1_6:
0x3f: {  	_ =	sfence.sel $0x180000  }
0x40: {  	s2 =	simm.s32 $0x1;
	[bflag:$0x0] =	sbarrier.arrive $0xFFFF  }
0x41: {  	s31 =	simm.s32 $0x2;
	[sflag:s2] =	ssyncpa.u1 $0x1  }
0x42: {  	[sflag:s31] =	ssyncpa.u1 $0x1  }
0x43: {  	p0 =	sne.s32 s0, $0x0;
	_ =	strace $0x9000004A  }
0x44: {  	s0 =	sadd.s32 @!p0 $0x100000, s1;
	[bflag:$0x2] =	sbarrier.arrive $0xFFFF  }
0x45: {  	[sflag:s0] =	ssyncadd.tile.s32 @!p0 $0x1;
	_ =	shalt  }
.Lfunc_end1:
_tile_overlayer_lowered:
.L_overlay_start_2:
0x46: {  	(tag) =	ssettag $0x2  }
0x47: {  	s0 =	rddreg [dreg:$0x0];
	s2 =	stileid.u32  }
0x48: {  	s1 =	rddreg [dreg:$0x1];
	p0 =	sne.s32 s2, $0x0  }
0x49: {  	s3 =	rddreg [dreg:$0x2];
	[bflag:$0x3] =	sbarrier.arrive $0xFFFF;
	s2 =	simm.s32 @!p0 $0x1C01  }
0x4a: {  	[timem:s3], [sflag:s2] =	dma.local @!p0 [hbm:s0], s1  }
0x4b: {  	s0 =	simm.s32 @!p0 $0x1  }
0x4c: {  	_ =	swait.ge @!p0 [sflag:s0], s1  }
0x4d: {  	s1 =	ssub.s32 @!p0 $0x0, s1;
	[sflag:s0] =	ssyncset.done @!p0 $0x0  }
0x4e: {  	[sflag:s0] =	ssyncadd.s32 @!p0 s1  }
0x4f: {  	[bflag:$0x3] =	sbarrier.arrive $0xFFFF  }
0x50: {  	_ =	shalt  }

</sc_bundles>
